<compile_context>
chip_gen: v7x
topology: tpu7x:2x2x1
jax: 0.10.2.dev20260603
libtpu: 0.0.44.dev20260713+nightly
codegen_flags: <defaults>
</compile_context>

<pallas_src>
import functools

import jax
import jax.numpy as jnp
from jax import lax
from jax.experimental import pallas as pl
from jax.experimental.pallas import tpu as pltpu
from jax.experimental.pallas import tpu_sc as plsc

NUM_BINS = 61928
EMBED_DIM = 16
BATCH = 16384
SPAN = 8

_info = plsc.get_sparse_core_info()
NC, NS, L = _info.num_cores, _info.num_subcores, _info.num_lanes
NREP = NC
FEAT_PER_REP = BATCH // NREP
FCHUNK = 1024
NFCHUNK = FEAT_PER_REP // FCHUNK
GROUPS = FCHUNK // L


def _make_kernel():
    mesh = plsc.VectorSubcoreMesh(core_axis_name="c", subcore_axis_name="s")

    @functools.partial(
        pl.kernel,
        mesh=mesh,
        out_type=jax.ShapeDtypeStruct((EMBED_DIM, BATCH), jnp.float32),
        scratch_types=[
            pltpu.VMEM((NUM_BINS,), jnp.float32),
            pltpu.VMEM((2, SPAN, FCHUNK), jnp.int32),
            pltpu.VMEM((FEAT_PER_REP,), jnp.float32),
            pltpu.SemaphoreType.DMA,
            pltpu.SemaphoreType.DMA,
            pltpu.SemaphoreType.DMA,
        ],
        compiler_params=pltpu.CompilerParams(
            use_tc_tiling_on_sc=False, needs_layout_passes=False
        ),
    )
    def k(idx_hbm, tab_hbm, out_hbm, col_v, idx_v, out_v, sem_a, sem_b, sem_c):
        col_id = lax.axis_index("s")
        rep = lax.axis_index("c")
        feat_base = rep * FEAT_PER_REP
        sems = (sem_a, sem_b)

        def idx_copy(chunk, buf):
            return pltpu.make_async_copy(
                idx_hbm.at[:, pl.ds(feat_base + chunk * FCHUNK, FCHUNK)],
                idx_v.at[buf],
                sems[buf],
            )

        col_copy = pltpu.make_async_copy(tab_hbm.at[col_id], col_v, sem_c)
        col_copy.start()
        idx_copy(0, 0).start()
        col_copy.wait()

        inv = jnp.float32(1.0 / SPAN)

        def run_groups(buf, chunk):
            out_base = chunk * FCHUNK

            @plsc.parallel_loop(0, GROUPS, unroll=4)
            def _groups(g):
                f0 = g * L
                bins = idx_v[buf, 0, pl.ds(f0, L)]
                acc = plsc.load_gather(col_v, [bins])
                for s in range(1, SPAN):
                    bins = idx_v[buf, s, pl.ds(f0, L)]
                    acc = acc + plsc.load_gather(col_v, [bins])
                out_v[pl.ds(out_base + f0, L)] = acc * inv

        def pair_body(c, carry):
            chunk0 = 2 * c
            chunk1 = 2 * c + 1

            idx_copy(chunk1, 1).start()
            idx_copy(chunk0, 0).wait()
            run_groups(0, chunk0)

            @pl.when(c + 1 < NFCHUNK // 2)
            def _():
                idx_copy(chunk1 + 1, 0).start()

            idx_copy(chunk1, 1).wait()
            run_groups(1, chunk1)
            return carry

        lax.fori_loop(0, NFCHUNK // 2, pair_body, 0, unroll=False)

        pltpu.sync_copy(out_v, out_hbm.at[col_id, pl.ds(feat_base, FEAT_PER_REP)])

    return k


_sc_kernel = _make_kernel()


def kernel(bin_idxs, table):
    idx_t = jnp.transpose(bin_idxs.astype(jnp.int32))
    tab_t = jnp.transpose(table)
    parts = _sc_kernel(idx_t, tab_t)
    return jnp.transpose(parts)

# --- scband reference (transcript-rebuilt; emitter-appended) ---
"""Pipeline reference for scband-positional-encoding-49082886259388 (READ-ONLY COPY).

The authoritative reference and input builder live on the scoring server;
editing this copy changes nothing except your own understanding.
"""

import jax, jax.numpy as jnp
import numpy as np

NUM_BINS = 61928  # hg38 genome (~3.1e9 bp) binned at 50kb
EMBED_DIM = 16
BATCH = 16384
SPAN = 8  # number of bins each feature overlaps


def setup_inputs(seed: int = 0) -> dict:
    key = jax.random.key(seed)
    k_idx, k_tab = jax.random.split(key)
    bin_idxs = jax.random.randint(k_idx, (BATCH, SPAN), 0, NUM_BINS, dtype=jnp.int64 if jax.config.jax_enable_x64 else jnp.int32)
    # Xavier-uniform initialized embedding table (matches nn.init.xavier_uniform_)
    limit = float(np.sqrt(6.0 / (NUM_BINS + EMBED_DIM)))
    table = jax.random.uniform(k_tab, (NUM_BINS, EMBED_DIM), minval=-limit, maxval=limit, dtype=jnp.float32)
    return {"bin_idxs": bin_idxs, "table": table}


def reference(bin_idxs, table):
    # PositionalEncoding.forward, batched: for each feature, gather the
    # embeddings of all overlapping genomic bins and average-pool them
    # (pooling='average' default; len(bin_idxs) > 1 path).
    bin_embeddings = jnp.take(table, bin_idxs, axis=0)  # [B, SPAN, D] gather
    pooled = jnp.mean(bin_embeddings, axis=1)           # [B, D] average pooling over bins
    return pooled

if __name__ == "__main__":
    import jax
    _d = setup_inputs()
    print(jax.jit(kernel)(*tuple(_d.values())))

</pallas_src>

<mosaic_0001>
#map = affine_map<(d0, d1) -> (0, 0)>
module attributes {stable_mosaic.version = 14 : i64} {
  func.func @k(%arg0: i32, %arg1: i32, %arg2: memref<8x16384xi32, #tpu.memory_space<hbm>>, %arg3: memref<16x61928xf32, #tpu.memory_space<hbm>>, %arg4: memref<16x16384xf32, #tpu.memory_space<hbm>>, %arg5: memref<61928xf32, #tpu.memory_space<vmem>>, %arg6: memref<2x8x1024xi32, #tpu.memory_space<vmem>>, %arg7: memref<8192xf32, #tpu.memory_space<vmem>>, %arg8: memref<!tpu.dma_semaphore, #tpu.memory_space<semaphore_mem>>, %arg9: memref<!tpu.dma_semaphore, #tpu.memory_space<semaphore_mem>>, %arg10: memref<!tpu.dma_semaphore, #tpu.memory_space<semaphore_mem>>) attributes {dimension_semantics = [#tpu.dimension_semantics<core_parallel>, #tpu.dimension_semantics<subcore_parallel>], iteration_bounds = array<i64: 2, 16>, scalar_prefetch = 0 : i64, scratch_operands = 6 : i64, tpu.core_type = #tpu.core_type<sc_vector_subcore>, window_params = [{transform_indices = #map}, {transform_indices = #map}, {transform_indices = #map}]} {
    %mul3A = arith.constant 8192 : i32
    %mul3A_0 = arith.muli %arg0, %mul3A : i32
    %dma_start3A = arith.constant 0 : i32
    %dma_start3A_1 = tpu.memref_slice %arg3[%arg1, %dma_start3A] : memref<16x61928xf32, #tpu.memory_space<hbm>> -> memref<1x61928xf32, #tpu.memory_space<hbm>>
    %dma_start3A_2 = tpu.memref_squeeze %dma_start3A_1 : memref<1x61928xf32, #tpu.memory_space<hbm>> -> memref<61928xf32, #tpu.memory_space<hbm>>
    %dma_start3A_3 = arith.constant 0 : i32
    %dma_start3A_4 = tpu.memref_slice %arg3[%arg1, %dma_start3A_3] : memref<16x61928xf32, #tpu.memory_space<hbm>> -> memref<1x61928xf32, #tpu.memory_space<hbm>>
    %dma_start3A_5 = tpu.memref_squeeze %dma_start3A_4 : memref<1x61928xf32, #tpu.memory_space<hbm>> -> memref<61928xf32, #tpu.memory_space<hbm>>
    tpu.enqueue_dma source(%dma_start3A_5 : memref<61928xf32, #tpu.memory_space<hbm>>) target(%arg5 : memref<61928xf32, #tpu.memory_space<vmem>>) target_semaphore(%arg10 : memref<!tpu.dma_semaphore, #tpu.memory_space<semaphore_mem>>)
    %add3A = arith.constant 0 : i32
    %add3A_6 = arith.addi %mul3A_0, %add3A : i32
    %dma_start3A_7 = arith.constant 0 : i32
    %dma_start3A_8 = arith.constant 0 : i32
    %dma_start3A_9 = arith.constant 0 : i32
    %dma_start3A_10 = tpu.memref_slice %arg6[%dma_start3A_7, %dma_start3A_8, %dma_start3A_9] : memref<2x8x1024xi32, #tpu.memory_space<vmem>> -> memref<1x8x1024xi32, #tpu.memory_space<vmem>>
    %dma_start3A_11 = tpu.memref_squeeze %dma_start3A_10 : memref<1x8x1024xi32, #tpu.memory_space<vmem>> -> memref<8x1024xi32, #tpu.memory_space<vmem>>
    %dma_start3A_12 = arith.constant 0 : i32
    %dma_start3A_13 = tpu.memref_slice %arg2[%dma_start3A_12, %add3A_6] : memref<8x16384xi32, #tpu.memory_space<hbm>> -> memref<8x1024xi32, #tpu.memory_space<hbm>>
    %dma_start3A_14 = arith.constant 0 : i32
    %dma_start3A_15 = arith.constant 0 : i32
    %dma_start3A_16 = tpu.memref_slice %arg6[%dma_start3A_7, %dma_start3A_14, %dma_start3A_15] : memref<2x8x1024xi32, #tpu.memory_space<vmem>> -> memref<1x8x1024xi32, #tpu.memory_space<vmem>>
    %dma_start3A_17 = tpu.memref_squeeze %dma_start3A_16 : memref<1x8x1024xi32, #tpu.memory_space<vmem>> -> memref<8x1024xi32, #tpu.memory_space<vmem>>
    %dma_start3A_18 = arith.constant 0 : i32
    %dma_start3A_19 = tpu.memref_slice %arg2[%dma_start3A_18, %add3A_6] : memref<8x16384xi32, #tpu.memory_space<hbm>> -> memref<8x1024xi32, #tpu.memory_space<hbm>>
    tpu.enqueue_dma source(%dma_start3A_19 : memref<8x1024xi32, #tpu.memory_space<hbm>>) target(%dma_start3A_17 : memref<8x1024xi32, #tpu.memory_space<vmem>>) target_semaphore(%arg8 : memref<!tpu.dma_semaphore, #tpu.memory_space<semaphore_mem>>)
    %dma_wait3A = arith.constant 0 : i32
    %dma_wait3A_20 = tpu.memref_slice %arg3[%arg1, %dma_wait3A] : memref<16x61928xf32, #tpu.memory_space<hbm>> -> memref<1x61928xf32, #tpu.memory_space<hbm>>
    %dma_wait3A_21 = tpu.memref_squeeze %dma_wait3A_20 : memref<1x61928xf32, #tpu.memory_space<hbm>> -> memref<61928xf32, #tpu.memory_space<hbm>>
    %dma_wait3A_22 = arith.constant 0 : i32
    %dma_wait3A_23 = tpu.memref_slice %arg3[%arg1, %dma_wait3A_22] : memref<16x61928xf32, #tpu.memory_space<hbm>> -> memref<1x61928xf32, #tpu.memory_space<hbm>>
    %dma_wait3A_24 = tpu.memref_squeeze %dma_wait3A_23 : memref<1x61928xf32, #tpu.memory_space<hbm>> -> memref<61928xf32, #tpu.memory_space<hbm>>
    tpu.wait_dma2 semaphore(%arg10 : memref<!tpu.dma_semaphore, #tpu.memory_space<semaphore_mem>>) src(%dma_wait3A_24 : memref<61928xf32, #tpu.memory_space<hbm>>) dst(%arg5 : memref<61928xf32, #tpu.memory_space<vmem>>)
    %scan3A = arith.constant 0 : i32
    %scan3A_25 = arith.constant 1.250000e-01 : f32
    %scan3A_26 = arith.constant 0 : i32
    %scan3A_27 = arith.constant 4 : i32
    %scan3A_28 = arith.addi %scan3A_26, %scan3A_27 : i32
    %scan3A_29 = arith.constant 1 : i32
    scf.for %scan3A_31 = %scan3A_26 to %scan3A_28 step %scan3A_29  : i32 {
      %mul3A_32 = arith.constant 2 : i32
      %mul3A_33 = arith.muli %mul3A_32, %scan3A_31 : i32
      %mul3A_34 = arith.constant 2 : i32
      %mul3A_35 = arith.muli %mul3A_34, %scan3A_31 : i32
      %add3A_36 = arith.constant 1 : i32
      %add3A_37 = arith.addi %mul3A_35, %add3A_36 : i32
      %mul3A_38 = arith.constant 1024 : i32
      %mul3A_39 = arith.muli %add3A_37, %mul3A_38 : i32
      %add3A_40 = arith.addi %mul3A_0, %mul3A_39 : i32
      %dma_start3A_41 = arith.constant 1 : i32
      %dma_start3A_42 = arith.constant 0 : i32
      %dma_start3A_43 = arith.constant 0 : i32
      %dma_start3A_44 = tpu.memref_slice %arg6[%dma_start3A_41, %dma_start3A_42, %dma_start3A_43] : memref<2x8x1024xi32, #tpu.memory_space<vmem>> -> memref<1x8x1024xi32, #tpu.memory_space<vmem>>
      %dma_start3A_45 = tpu.memref_squeeze %dma_start3A_44 : memref<1x8x1024xi32, #tpu.memory_space<vmem>> -> memref<8x1024xi32, #tpu.memory_space<vmem>>
      %dma_start3A_46 = arith.constant 0 : i32
      %dma_start3A_47 = tpu.memref_slice %arg2[%dma_start3A_46, %add3A_40] : memref<8x16384xi32, #tpu.memory_space<hbm>> -> memref<8x1024xi32, #tpu.memory_space<hbm>>
      %dma_start3A_48 = arith.constant 0 : i32
      %dma_start3A_49 = arith.constant 0 : i32
      %dma_start3A_50 = tpu.memref_slice %arg6[%dma_start3A_41, %dma_start3A_48, %dma_start3A_49] : memref<2x8x1024xi32, #tpu.memory_space<vmem>> -> memref<1x8x1024xi32, #tpu.memory_space<vmem>>
      %dma_start3A_51 = tpu.memref_squeeze %dma_start3A_50 : memref<1x8x1024xi32, #tpu.memory_space<vmem>> -> memref<8x1024xi32, #tpu.memory_space<vmem>>
      %dma_start3A_52 = arith.constant 0 : i32
      %dma_start3A_53 = tpu.memref_slice %arg2[%dma_start3A_52, %add3A_40] : memref<8x16384xi32, #tpu.memory_space<hbm>> -> memref<8x1024xi32, #tpu.memory_space<hbm>>
      tpu.enqueue_dma source(%dma_start3A_53 : memref<8x1024xi32, #tpu.memory_space<hbm>>) target(%dma_start3A_51 : memref<8x1024xi32, #tpu.memory_space<vmem>>) target_semaphore(%arg9 : memref<!tpu.dma_semaphore, #tpu.memory_space<semaphore_mem>>)
      %mul3A_54 = arith.constant 1024 : i32
      %mul3A_55 = arith.muli %mul3A_33, %mul3A_54 : i32
      %add3A_56 = arith.addi %mul3A_0, %mul3A_55 : i32
      %dma_wait3A_57 = arith.constant 0 : i32
      %dma_wait3A_58 = arith.constant 0 : i32
      %dma_wait3A_59 = arith.constant 0 : i32
      %dma_wait3A_60 = tpu.memref_slice %arg6[%dma_wait3A_57, %dma_wait3A_58, %dma_wait3A_59] : memref<2x8x1024xi32, #tpu.memory_space<vmem>> -> memref<1x8x1024xi32, #tpu.memory_space<vmem>>
      %dma_wait3A_61 = tpu.memref_squeeze %dma_wait3A_60 : memref<1x8x1024xi32, #tpu.memory_space<vmem>> -> memref<8x1024xi32, #tpu.memory_space<vmem>>
      %dma_wait3A_62 = arith.constant 0 : i32
      %dma_wait3A_63 = tpu.memref_slice %arg2[%dma_wait3A_62, %add3A_56] : memref<8x16384xi32, #tpu.memory_space<hbm>> -> memref<8x1024xi32, #tpu.memory_space<hbm>>
      %dma_wait3A_64 = arith.constant 0 : i32
      %dma_wait3A_65 = arith.constant 0 : i32
      %dma_wait3A_66 = tpu.memref_slice %arg6[%dma_wait3A_57, %dma_wait3A_64, %dma_wait3A_65] : memref<2x8x1024xi32, #tpu.memory_space<vmem>> -> memref<1x8x1024xi32, #tpu.memory_space<vmem>>
      %dma_wait3A_67 = tpu.memref_squeeze %dma_wait3A_66 : memref<1x8x1024xi32, #tpu.memory_space<vmem>> -> memref<8x1024xi32, #tpu.memory_space<vmem>>
      %dma_wait3A_68 = arith.constant 0 : i32
      %dma_wait3A_69 = tpu.memref_slice %arg2[%dma_wait3A_68, %add3A_56] : memref<8x16384xi32, #tpu.memory_space<hbm>> -> memref<8x1024xi32, #tpu.memory_space<hbm>>
      tpu.wait_dma2 semaphore(%arg8 : memref<!tpu.dma_semaphore, #tpu.memory_space<semaphore_mem>>) src(%dma_wait3A_69 : memref<8x1024xi32, #tpu.memory_space<hbm>>) dst(%dma_wait3A_67 : memref<8x1024xi32, #tpu.memory_space<vmem>>)
      %mul3A_70 = arith.constant 1024 : i32
      %mul3A_71 = arith.muli %mul3A_33, %mul3A_70 : i32
      %parallel_loop3A = arith.constant 0 : i32
      %parallel_loop3A_72 = arith.constant 64 : i32
      %parallel_loop3A_73 = arith.constant 1 : i32
      scf.for %parallel_loop3A_99 = %parallel_loop3A to %parallel_loop3A_72 step %parallel_loop3A_73  : i32 {
        %parallel_loop3A_100 = arith.constant 16 : i32
        %parallel_loop3A_101 = arith.muli %parallel_loop3A_99, %parallel_loop3A_100 : i32
        %parallel_loop3A_102 = arith.constant 0 : i32
        %parallel_loop3A_103 = arith.constant 0 : i32
        %parallel_loop3A_104 = arith.index_cast %parallel_loop3A_102 : i32 to index
        %parallel_loop3A_105 = arith.index_cast %parallel_loop3A_103 : i32 to index
        %parallel_loop3A_106 = arith.index_cast %parallel_loop3A_101 : i32 to index
        %parallel_loop3A_107 = tpu.vector_load %arg6[%parallel_loop3A_104, %parallel_loop3A_105, %parallel_loop3A_106] {strides = array<i32>} : memref<2x8x1024xi32, #tpu.memory_space<vmem>>, vector<16xi32>,
        %parallel_loop3A_108 = tpu.vector_load_idx %arg5[%parallel_loop3A_107] : memref<61928xf32, #tpu.memory_space<vmem>>[vector<16xi32>], vector<16xf32>,
        %parallel_loop3A_109 = arith.constant 0 : i32
        %parallel_loop3A_110 = arith.constant 1 : i32
        %parallel_loop3A_111 = arith.index_cast %parallel_loop3A_109 : i32 to index
        %parallel_loop3A_112 = arith.index_cast %parallel_loop3A_110 : i32 to index
        %parallel_loop3A_113 = arith.index_cast %parallel_loop3A_101 : i32 to index
        %parallel_loop3A_114 = tpu.vector_load %arg6[%parallel_loop3A_111, %parallel_loop3A_112, %parallel_loop3A_113] {strides = array<i32>} : memref<2x8x1024xi32, #tpu.memory_space<vmem>>, vector<16xi32>,
        %parallel_loop3A_115 = tpu.vector_load_idx %arg5[%parallel_loop3A_114] : memref<61928xf32, #tpu.memory_space<vmem>>[vector<16xi32>], vector<16xf32>,
        %parallel_loop3A_116 = arith.addf %parallel_loop3A_108, %parallel_loop3A_115 : vector<16xf32>
        %parallel_loop3A_117 = arith.constant 0 : i32
        %parallel_loop3A_118 = arith.constant 2 : i32
        %parallel_loop3A_119 = arith.index_cast %parallel_loop3A_117 : i32 to index
        %parallel_loop3A_120 = arith.index_cast %parallel_loop3A_118 : i32 to index
        %parallel_loop3A_121 = arith.index_cast %parallel_loop3A_101 : i32 to index
        %parallel_loop3A_122 = tpu.vector_load %arg6[%parallel_loop3A_119, %parallel_loop3A_120, %parallel_loop3A_121] {strides = array<i32>} : memref<2x8x1024xi32, #tpu.memory_space<vmem>>, vector<16xi32>,
        %parallel_loop3A_123 = tpu.vector_load_idx %arg5[%parallel_loop3A_122] : memref<61928xf32, #tpu.memory_space<vmem>>[vector<16xi32>], vector<16xf32>,
        %parallel_loop3A_124 = arith.addf %parallel_loop3A_116, %parallel_loop3A_123 : vector<16xf32>
        %parallel_loop3A_125 = arith.constant 0 : i32
        %parallel_loop3A_126 = arith.constant 3 : i32
        %parallel_loop3A_127 = arith.index_cast %parallel_loop3A_125 : i32 to index
        %parallel_loop3A_128 = arith.index_cast %parallel_loop3A_126 : i32 to index
        %parallel_loop3A_129 = arith.index_cast %parallel_loop3A_101 : i32 to index
        %parallel_loop3A_130 = tpu.vector_load %arg6[%parallel_loop3A_127, %parallel_loop3A_128, %parallel_loop3A_129] {strides = array<i32>} : memref<2x8x1024xi32, #tpu.memory_space<vmem>>, vector<16xi32>,
        %parallel_loop3A_131 = tpu.vector_load_idx %arg5[%parallel_loop3A_130] : memref<61928xf32, #tpu.memory_space<vmem>>[vector<16xi32>], vector<16xf32>,
        %parallel_loop3A_132 = arith.addf %parallel_loop3A_124, %parallel_loop3A_131 : vector<16xf32>
        %parallel_loop3A_133 = arith.constant 0 : i32
        %parallel_loop3A_134 = arith.constant 4 : i32
        %parallel_loop3A_135 = arith.index_cast %parallel_loop3A_133 : i32 to index
        %parallel_loop3A_136 = arith.index_cast %parallel_loop3A_134 : i32 to index
        %parallel_loop3A_137 = arith.index_cast %parallel_loop3A_101 : i32 to index
        %parallel_loop3A_138 = tpu.vector_load %arg6[%parallel_loop3A_135, %parallel_loop3A_136, %parallel_loop3A_137] {strides = array<i32>} : memref<2x8x1024xi32, #tpu.memory_space<vmem>>, vector<16xi32>,
        %parallel_loop3A_139 = tpu.vector_load_idx %arg5[%parallel_loop3A_138] : memref<61928xf32, #tpu.memory_space<vmem>>[vector<16xi32>], vector<16xf32>,
        %parallel_loop3A_140 = arith.addf %parallel_loop3A_132, %parallel_loop3A_139 : vector<16xf32>
        %parallel_loop3A_141 = arith.constant 0 : i32
        %parallel_loop3A_142 = arith.constant 5 : i32
        %parallel_loop3A_143 = arith.index_cast %parallel_loop3A_141 : i32 to index
        %parallel_loop3A_144 = arith.index_cast %parallel_loop3A_142 : i32 to index
        %parallel_loop3A_145 = arith.index_cast %parallel_loop3A_101 : i32 to index
        %parallel_loop3A_146 = tpu.vector_load %arg6[%parallel_loop3A_143, %parallel_loop3A_144, %parallel_loop3A_145] {strides = array<i32>} : memref<2x8x1024xi32, #tpu.memory_space<vmem>>, vector<16xi32>,
        %parallel_loop3A_147 = tpu.vector_load_idx %arg5[%parallel_loop3A_146] : memref<61928xf32, #tpu.memory_space<vmem>>[vector<16xi32>], vector<16xf32>,
        %parallel_loop3A_148 = arith.addf %parallel_loop3A_140, %parallel_loop3A_147 : vector<16xf32>
        %parallel_loop3A_149 = arith.constant 0 : i32
        %parallel_loop3A_150 = arith.constant 6 : i32
        %parallel_loop3A_151 = arith.index_cast %parallel_loop3A_149 : i32 to index
        %parallel_loop3A_152 = arith.index_cast %parallel_loop3A_150 : i32 to index
        %parallel_loop3A_153 = arith.index_cast %parallel_loop3A_101 : i32 to index
        %parallel_loop3A_154 = tpu.vector_load %arg6[%parallel_loop3A_151, %parallel_loop3A_152, %parallel_loop3A_153] {strides = array<i32>} : memref<2x8x1024xi32, #tpu.memory_space<vmem>>, vector<16xi32>,
        %parallel_loop3A_155 = tpu.vector_load_idx %arg5[%parallel_loop3A_154] : memref<61928xf32, #tpu.memory_space<vmem>>[vector<16xi32>], vector<16xf32>,
        %parallel_loop3A_156 = arith.addf %parallel_loop3A_148, %parallel_loop3A_155 : vector<16xf32>
        %parallel_loop3A_157 = arith.constant 0 : i32
        %parallel_loop3A_158 = arith.constant 7 : i32
        %parallel_loop3A_159 = arith.index_cast %parallel_loop3A_157 : i32 to index
        %parallel_loop3A_160 = arith.index_cast %parallel_loop3A_158 : i32 to index
        %parallel_loop3A_161 = arith.index_cast %parallel_loop3A_101 : i32 to index
        %parallel_loop3A_162 = tpu.vector_load %arg6[%parallel_loop3A_159, %parallel_loop3A_160, %parallel_loop3A_161] {strides = array<i32>} : memref<2x8x1024xi32, #tpu.memory_space<vmem>>, vector<16xi32>,
        %parallel_loop3A_163 = tpu.vector_load_idx %arg5[%parallel_loop3A_162] : memref<61928xf32, #tpu.memory_space<vmem>>[vector<16xi32>], vector<16xf32>,
        %parallel_loop3A_164 = arith.addf %parallel_loop3A_156, %parallel_loop3A_163 : vector<16xf32>
        %parallel_loop3A_165 = vector.broadcast %scan3A_25 : f32 to vector<16xf32>
        %parallel_loop3A_166 = arith.mulf %parallel_loop3A_164, %parallel_loop3A_165 : vector<16xf32>
        %parallel_loop3A_167 = arith.addi %mul3A_71, %parallel_loop3A_101 : i32
        %parallel_loop3A_168 = arith.index_cast %parallel_loop3A_167 : i32 to index
        %parallel_loop3A_169 = tpu.vector_load %arg7[%parallel_loop3A_168] {strides = array<i32>} : memref<8192xf32, #tpu.memory_space<vmem>>, vector<16xf32>,
        tpu.vector_store %arg7[%parallel_loop3A_168], %parallel_loop3A_166 {strides = array<i32>} : memref<8192xf32, #tpu.memory_space<vmem>>, vector<16xf32>,
      } {sc.loop_unroll_factor = 4 : i64, sc.parallel_access}
      %add3A_74 = arith.constant 1 : i32
      %add3A_75 = arith.addi %scan3A_31, %add3A_74 : i32
      %lt3A = arith.constant 4 : i32
      %lt3A_76 = arith.cmpi slt, %add3A_75, %lt3A : i32
      %convert_element_type3A = arith.extui %lt3A_76 : i1 to i32
      %cond3A = arith.constant 0 : i32
      %cond3A_77 = arith.cmpi ne, %convert_element_type3A, %cond3A : i32
      scf.if %cond3A_77 {
        %add3A_99 = arith.constant 1 : i32
        %add3A_100 = arith.addi %add3A_37, %add3A_99 : i32
        %mul3A_101 = arith.constant 1024 : i32
        %mul3A_102 = arith.muli %add3A_100, %mul3A_101 : i32
        %add3A_103 = arith.addi %mul3A_0, %mul3A_102 : i32
        %dma_start3A_104 = arith.constant 0 : i32
        %dma_start3A_105 = arith.constant 0 : i32
        %dma_start3A_106 = arith.constant 0 : i32
        %dma_start3A_107 = tpu.memref_slice %arg6[%dma_start3A_104, %dma_start3A_105, %dma_start3A_106] : memref<2x8x1024xi32, #tpu.memory_space<vmem>> -> memref<1x8x1024xi32, #tpu.memory_space<vmem>>
        %dma_start3A_108 = tpu.memref_squeeze %dma_start3A_107 : memref<1x8x1024xi32, #tpu.memory_space<vmem>> -> memref<8x1024xi32, #tpu.memory_space<vmem>>
        %dma_start3A_109 = arith.constant 0 : i32
        %dma_start3A_110 = tpu.memref_slice %arg2[%dma_start3A_109, %add3A_103] : memref<8x16384xi32, #tpu.memory_space<hbm>> -> memref<8x1024xi32, #tpu.memory_space<hbm>>
        %dma_start3A_111 = arith.constant 0 : i32
        %dma_start3A_112 = arith.constant 0 : i32
        %dma_start3A_113 = tpu.memref_slice %arg6[%dma_start3A_104, %dma_start3A_111, %dma_start3A_112] : memref<2x8x1024xi32, #tpu.memory_space<vmem>> -> memref<1x8x1024xi32, #tpu.memory_space<vmem>>
        %dma_start3A_114 = tpu.memref_squeeze %dma_start3A_113 : memref<1x8x1024xi32, #tpu.memory_space<vmem>> -> memref<8x1024xi32, #tpu.memory_space<vmem>>
        %dma_start3A_115 = arith.constant 0 : i32
        %dma_start3A_116 = tpu.memref_slice %arg2[%dma_start3A_115, %add3A_103] : memref<8x16384xi32, #tpu.memory_space<hbm>> -> memref<8x1024xi32, #tpu.memory_space<hbm>>
        tpu.enqueue_dma source(%dma_start3A_116 : memref<8x1024xi32, #tpu.memory_space<hbm>>) target(%dma_start3A_114 : memref<8x1024xi32, #tpu.memory_space<vmem>>) target_semaphore(%arg8 : memref<!tpu.dma_semaphore, #tpu.memory_space<semaphore_mem>>)
      } else {
      }
      %mul3A_78 = arith.constant 1024 : i32
      %mul3A_79 = arith.muli %add3A_37, %mul3A_78 : i32
      %add3A_80 = arith.addi %mul3A_0, %mul3A_79 : i32
      %dma_wait3A_81 = arith.constant 1 : i32
      %dma_wait3A_82 = arith.constant 0 : i32
      %dma_wait3A_83 = arith.constant 0 : i32
      %dma_wait3A_84 = tpu.memref_slice %arg6[%dma_wait3A_81, %dma_wait3A_82, %dma_wait3A_83] : memref<2x8x1024xi32, #tpu.memory_space<vmem>> -> memref<1x8x1024xi32, #tpu.memory_space<vmem>>
      %dma_wait3A_85 = tpu.memref_squeeze %dma_wait3A_84 : memref<1x8x1024xi32, #tpu.memory_space<vmem>> -> memref<8x1024xi32, #tpu.memory_space<vmem>>
      %dma_wait3A_86 = arith.constant 0 : i32
      %dma_wait3A_87 = tpu.memref_slice %arg2[%dma_wait3A_86, %add3A_80] : memref<8x16384xi32, #tpu.memory_space<hbm>> -> memref<8x1024xi32, #tpu.memory_space<hbm>>
      %dma_wait3A_88 = arith.constant 0 : i32
      %dma_wait3A_89 = arith.constant 0 : i32
      %dma_wait3A_90 = tpu.memref_slice %arg6[%dma_wait3A_81, %dma_wait3A_88, %dma_wait3A_89] : memref<2x8x1024xi32, #tpu.memory_space<vmem>> -> memref<1x8x1024xi32, #tpu.memory_space<vmem>>
      %dma_wait3A_91 = tpu.memref_squeeze %dma_wait3A_90 : memref<1x8x1024xi32, #tpu.memory_space<vmem>> -> memref<8x1024xi32, #tpu.memory_space<vmem>>
      %dma_wait3A_92 = arith.constant 0 : i32
      %dma_wait3A_93 = tpu.memref_slice %arg2[%dma_wait3A_92, %add3A_80] : memref<8x16384xi32, #tpu.memory_space<hbm>> -> memref<8x1024xi32, #tpu.memory_space<hbm>>
      tpu.wait_dma2 semaphore(%arg9 : memref<!tpu.dma_semaphore, #tpu.memory_space<semaphore_mem>>) src(%dma_wait3A_93 : memref<8x1024xi32, #tpu.memory_space<hbm>>) dst(%dma_wait3A_91 : memref<8x1024xi32, #tpu.memory_space<vmem>>)
      %mul3A_94 = arith.constant 1024 : i32
      %mul3A_95 = arith.muli %add3A_37, %mul3A_94 : i32
      %parallel_loop3A_96 = arith.constant 0 : i32
      %parallel_loop3A_97 = arith.constant 64 : i32
      %parallel_loop3A_98 = arith.constant 1 : i32
      scf.for %parallel_loop3A_99 = %parallel_loop3A_96 to %parallel_loop3A_97 step %parallel_loop3A_98  : i32 {
        %parallel_loop3A_100 = arith.constant 16 : i32
        %parallel_loop3A_101 = arith.muli %parallel_loop3A_99, %parallel_loop3A_100 : i32
        %parallel_loop3A_102 = arith.constant 1 : i32
        %parallel_loop3A_103 = arith.constant 0 : i32
        %parallel_loop3A_104 = arith.index_cast %parallel_loop3A_102 : i32 to index
        %parallel_loop3A_105 = arith.index_cast %parallel_loop3A_103 : i32 to index
        %parallel_loop3A_106 = arith.index_cast %parallel_loop3A_101 : i32 to index
        %parallel_loop3A_107 = tpu.vector_load %arg6[%parallel_loop3A_104, %parallel_loop3A_105, %parallel_loop3A_106] {strides = array<i32>} : memref<2x8x1024xi32, #tpu.memory_space<vmem>>, vector<16xi32>,
        %parallel_loop3A_108 = tpu.vector_load_idx %arg5[%parallel_loop3A_107] : memref<61928xf32, #tpu.memory_space<vmem>>[vector<16xi32>], vector<16xf32>,
        %parallel_loop3A_109 = arith.constant 1 : i32
        %parallel_loop3A_110 = arith.constant 1 : i32
        %parallel_loop3A_111 = arith.index_cast %parallel_loop3A_109 : i32 to index
        %parallel_loop3A_112 = arith.index_cast %parallel_loop3A_110 : i32 to index
        %parallel_loop3A_113 = arith.index_cast %parallel_loop3A_101 : i32 to index
        %parallel_loop3A_114 = tpu.vector_load %arg6[%parallel_loop3A_111, %parallel_loop3A_112, %parallel_loop3A_113] {strides = array<i32>} : memref<2x8x1024xi32, #tpu.memory_space<vmem>>, vector<16xi32>,
        %parallel_loop3A_115 = tpu.vector_load_idx %arg5[%parallel_loop3A_114] : memref<61928xf32, #tpu.memory_space<vmem>>[vector<16xi32>], vector<16xf32>,
        %parallel_loop3A_116 = arith.addf %parallel_loop3A_108, %parallel_loop3A_115 : vector<16xf32>
        %parallel_loop3A_117 = arith.constant 1 : i32
        %parallel_loop3A_118 = arith.constant 2 : i32
        %parallel_loop3A_119 = arith.index_cast %parallel_loop3A_117 : i32 to index
        %parallel_loop3A_120 = arith.index_cast %parallel_loop3A_118 : i32 to index
        %parallel_loop3A_121 = arith.index_cast %parallel_loop3A_101 : i32 to index
        %parallel_loop3A_122 = tpu.vector_load %arg6[%parallel_loop3A_119, %parallel_loop3A_120, %parallel_loop3A_121] {strides = array<i32>} : memref<2x8x1024xi32, #tpu.memory_space<vmem>>, vector<16xi32>,
        %parallel_loop3A_123 = tpu.vector_load_idx %arg5[%parallel_loop3A_122] : memref<61928xf32, #tpu.memory_space<vmem>>[vector<16xi32>], vector<16xf32>,
        %parallel_loop3A_124 = arith.addf %parallel_loop3A_116, %parallel_loop3A_123 : vector<16xf32>
        %parallel_loop3A_125 = arith.constant 1 : i32
        %parallel_loop3A_126 = arith.constant 3 : i32
        %parallel_loop3A_127 = arith.index_cast %parallel_loop3A_125 : i32 to index
        %parallel_loop3A_128 = arith.index_cast %parallel_loop3A_126 : i32 to index
        %parallel_loop3A_129 = arith.index_cast %parallel_loop3A_101 : i32 to index
        %parallel_loop3A_130 = tpu.vector_load %arg6[%parallel_loop3A_127, %parallel_loop3A_128, %parallel_loop3A_129] {strides = array<i32>} : memref<2x8x1024xi32, #tpu.memory_space<vmem>>, vector<16xi32>,
        %parallel_loop3A_131 = tpu.vector_load_idx %arg5[%parallel_loop3A_130] : memref<61928xf32, #tpu.memory_space<vmem>>[vector<16xi32>], vector<16xf32>,
        %parallel_loop3A_132 = arith.addf %parallel_loop3A_124, %parallel_loop3A_131 : vector<16xf32>
        %parallel_loop3A_133 = arith.constant 1 : i32
        %parallel_loop3A_134 = arith.constant 4 : i32
        %parallel_loop3A_135 = arith.index_cast %parallel_loop3A_133 : i32 to index
        %parallel_loop3A_136 = arith.index_cast %parallel_loop3A_134 : i32 to index
        %parallel_loop3A_137 = arith.index_cast %parallel_loop3A_101 : i32 to index
        %parallel_loop3A_138 = tpu.vector_load %arg6[%parallel_loop3A_135, %parallel_loop3A_136, %parallel_loop3A_137] {strides = array<i32>} : memref<2x8x1024xi32, #tpu.memory_space<vmem>>, vector<16xi32>,
        %parallel_loop3A_139 = tpu.vector_load_idx %arg5[%parallel_loop3A_138] : memref<61928xf32, #tpu.memory_space<vmem>>[vector<16xi32>], vector<16xf32>,
        %parallel_loop3A_140 = arith.addf %parallel_loop3A_132, %parallel_loop3A_139 : vector<16xf32>
        %parallel_loop3A_141 = arith.constant 1 : i32
        %parallel_loop3A_142 = arith.constant 5 : i32
        %parallel_loop3A_143 = arith.index_cast %parallel_loop3A_141 : i32 to index
        %parallel_loop3A_144 = arith.index_cast %parallel_loop3A_142 : i32 to index
        %parallel_loop3A_145 = arith.index_cast %parallel_loop3A_101 : i32 to index
        %parallel_loop3A_146 = tpu.vector_load %arg6[%parallel_loop3A_143, %parallel_loop3A_144, %parallel_loop3A_145] {strides = array<i32>} : memref<2x8x1024xi32, #tpu.memory_space<vmem>>, vector<16xi32>,
        %parallel_loop3A_147 = tpu.vector_load_idx %arg5[%parallel_loop3A_146] : memref<61928xf32, #tpu.memory_space<vmem>>[vector<16xi32>], vector<16xf32>,
        %parallel_loop3A_148 = arith.addf %parallel_loop3A_140, %parallel_loop3A_147 : vector<16xf32>
        %parallel_loop3A_149 = arith.constant 1 : i32
        %parallel_loop3A_150 = arith.constant 6 : i32
        %parallel_loop3A_151 = arith.index_cast %parallel_loop3A_149 : i32 to index
        %parallel_loop3A_152 = arith.index_cast %parallel_loop3A_150 : i32 to index
        %parallel_loop3A_153 = arith.index_cast %parallel_loop3A_101 : i32 to index
        %parallel_loop3A_154 = tpu.vector_load %arg6[%parallel_loop3A_151, %parallel_loop3A_152, %parallel_loop3A_153] {strides = array<i32>} : memref<2x8x1024xi32, #tpu.memory_space<vmem>>, vector<16xi32>,
        %parallel_loop3A_155 = tpu.vector_load_idx %arg5[%parallel_loop3A_154] : memref<61928xf32, #tpu.memory_space<vmem>>[vector<16xi32>], vector<16xf32>,
        %parallel_loop3A_156 = arith.addf %parallel_loop3A_148, %parallel_loop3A_155 : vector<16xf32>
        %parallel_loop3A_157 = arith.constant 1 : i32
        %parallel_loop3A_158 = arith.constant 7 : i32
        %parallel_loop3A_159 = arith.index_cast %parallel_loop3A_157 : i32 to index
        %parallel_loop3A_160 = arith.index_cast %parallel_loop3A_158 : i32 to index
        %parallel_loop3A_161 = arith.index_cast %parallel_loop3A_101 : i32 to index
        %parallel_loop3A_162 = tpu.vector_load %arg6[%parallel_loop3A_159, %parallel_loop3A_160, %parallel_loop3A_161] {strides = array<i32>} : memref<2x8x1024xi32, #tpu.memory_space<vmem>>, vector<16xi32>,
        %parallel_loop3A_163 = tpu.vector_load_idx %arg5[%parallel_loop3A_162] : memref<61928xf32, #tpu.memory_space<vmem>>[vector<16xi32>], vector<16xf32>,
        %parallel_loop3A_164 = arith.addf %parallel_loop3A_156, %parallel_loop3A_163 : vector<16xf32>
        %parallel_loop3A_165 = vector.broadcast %scan3A_25 : f32 to vector<16xf32>
        %parallel_loop3A_166 = arith.mulf %parallel_loop3A_164, %parallel_loop3A_165 : vector<16xf32>
        %parallel_loop3A_167 = arith.addi %mul3A_95, %parallel_loop3A_101 : i32
        %parallel_loop3A_168 = arith.index_cast %parallel_loop3A_167 : i32 to index
        %parallel_loop3A_169 = tpu.vector_load %arg7[%parallel_loop3A_168] {strides = array<i32>} : memref<8192xf32, #tpu.memory_space<vmem>>, vector<16xf32>,
        tpu.vector_store %arg7[%parallel_loop3A_168], %parallel_loop3A_166 {strides = array<i32>} : memref<8192xf32, #tpu.memory_space<vmem>>, vector<16xf32>,
      } {sc.loop_unroll_factor = 4 : i64, sc.parallel_access}
    }
    %scan3A_30 = arith.constant 4 : i32
    "tpu.region"() ({
      %run_scoped3A = tpu.sem_alloc : memref<!tpu.dma_semaphore, #tpu.memory_space<semaphore_mem>>
      %dma_start3A_31 = tpu.memref_slice %arg4[%arg1, %mul3A_0] : memref<16x16384xf32, #tpu.memory_space<hbm>> -> memref<1x8192xf32, #tpu.memory_space<hbm>>
      %dma_start3A_32 = tpu.memref_squeeze %dma_start3A_31 : memref<1x8192xf32, #tpu.memory_space<hbm>> -> memref<8192xf32, #tpu.memory_space<hbm>>
      %dma_start3A_33 = tpu.memref_slice %arg4[%arg1, %mul3A_0] : memref<16x16384xf32, #tpu.memory_space<hbm>> -> memref<1x8192xf32, #tpu.memory_space<hbm>>
      %dma_start3A_34 = tpu.memref_squeeze %dma_start3A_33 : memref<1x8192xf32, #tpu.memory_space<hbm>> -> memref<8192xf32, #tpu.memory_space<hbm>>
      tpu.enqueue_dma source(%arg7 : memref<8192xf32, #tpu.memory_space<vmem>>) target(%dma_start3A_34 : memref<8192xf32, #tpu.memory_space<hbm>>) target_semaphore(%run_scoped3A : memref<!tpu.dma_semaphore, #tpu.memory_space<semaphore_mem>>)
      %dma_wait3A_35 = tpu.memref_slice %arg4[%arg1, %mul3A_0] : memref<16x16384xf32, #tpu.memory_space<hbm>> -> memref<1x8192xf32, #tpu.memory_space<hbm>>
      %dma_wait3A_36 = tpu.memref_squeeze %dma_wait3A_35 : memref<1x8192xf32, #tpu.memory_space<hbm>> -> memref<8192xf32, #tpu.memory_space<hbm>>
      %dma_wait3A_37 = tpu.memref_slice %arg4[%arg1, %mul3A_0] : memref<16x16384xf32, #tpu.memory_space<hbm>> -> memref<1x8192xf32, #tpu.memory_space<hbm>>
      %dma_wait3A_38 = tpu.memref_squeeze %dma_wait3A_37 : memref<1x8192xf32, #tpu.memory_space<hbm>> -> memref<8192xf32, #tpu.memory_space<hbm>>
      tpu.wait_dma2 semaphore(%run_scoped3A : memref<!tpu.dma_semaphore, #tpu.memory_space<semaphore_mem>>) src(%arg7 : memref<8192xf32, #tpu.memory_space<vmem>>) dst(%dma_wait3A_38 : memref<8192xf32, #tpu.memory_space<hbm>>)
      tpu.yield
    }) : () -> ()
    return
  }
}

</mosaic_0001>

<sc_bundles>
// kernel: kernel.3.cloned.1.call-start
scs
__scs_entry_jumppad:
0x0: {  	(pc) =	sbr.rel $0x88, $3  }
0x1: {  	(tag) =	ssettag $0x0;
	lr =	simm.s32 $0x1  }
0x2: {  	[smem:$0x3F9F] =	sst lr;
	_ =	strace $0xD0000000  }
0x3: {  	_ = 	snop  }
0x4: {  	_ = 	snop  }
0x5: {  	_ = 	snop  }
0x6: {  	_ = 	snop  }
0x7: {  	_ = 	snop  }
__scs_overlays_trampoline_lowered:
0x8: {  	[smem:$0x3FAE] =	sst s0  }
0x9: {  	[smem:$0x3FAF] =	sst s1  }
0xa: {  	[smem:$0x3FB0] =	sst s2  }
0xb: {  	[smem:$0x3FB1] =	sst s3  }
0xc: {  	[smem:$0x3FB2] =	sst s4  }
0xd: {  	[smem:$0x3FB3] =	sst s5  }
0xe: {  	[smem:$0x3FB4] =	sst s6  }
0xf: {  	[smem:$0x3FB5] =	sst s7  }
0x10: {  	[smem:$0x3FB6] =	sst s8  }
0x11: {  	[smem:$0x3FB7] =	sst s9;
	s0 =	simm.s32 @!p0 $0x0  }
0x12: {  	s1 =	sld [smem:$0x3F9D];
	s0 =	simm.s32 @p0 $0x1  }
0x13: {  	[smem:$0x3FB8] =	sst s0;
	s0 =	simm.s32 @!p1 $0x0  }
0x14: {  	s2 =	sld [smem:$0x3F9C];
	s0 =	simm.s32 @p1 $0x1  }
0x15: {  	[smem:$0x3FB9] =	sst s0;
	s0 =	simm.s32 @!p2 $0x0  }
0x16: {  	s3 =	sld [smem:$0x3FDB];
	s0 =	simm.s32 @p2 $0x1  }
0x17: {  	s4 =	simm.s32 $0x1BF5;
	[smem:$0x3FBB] =	sst s0  }
0x18: {  	s0 =	sld [smem:$0x3F9E];
	_ =	swait.ge [sflag:s4], $0x0  }
0x19: {  	s7 =	sld [smem:$0x3F9F]  }
0x1a: {  	s8 =	sadd.s32 $0xFFFFE003, lr  }
0x1b: {  	s9 =	sadd.s32 $0xFFFFFEF7, lr;
	s5 =	simm.s32 $0xFFFFFFFF;
	p2 =	slt.u32 s8, $0xFFFFF086  }
0x1c: {  	p1 =	slt.u32 s9, $0xF7A;
	s5 =	simm.s32 @!p2 $0x0  }
0x1d: {  	s5 =	simm.s32 @p1 $0x1;
	p0 =	seq.s32 s7, s2  }
0x1e: {  	s7 =	smul.u32 @!p0 $0xF7A, s2;
	p2 =	seq.s32 @!p0 s5, $0x0  }
0x1f: {  	s9 =	smul.u32 $0xF7A, s1;
	s8 =	simm.s32 @!p0 $0x1BF5;
	p2 =	por !p2, p0  }
0x20: {  	[sflag:s8] =	ssyncset.s32 @!p0 $0xFFFFF086;
	s6 =	sadd.s32 @!p0 s3, s7;
	s7 =	simm.s32 @!p0 $0x108  }
0x21: {  	s3 =	sadd.s32 s3, s9;
	s6 =	sadd.s32 @!p0 $0x88, s6;
	s7 =	simm.s32 @p2 $0x1082  }
0x22: {  	[simem:s7], [sflag:s8] =	dma.local @!p0 [hbm:s6], $0xF7A  }
0x23: {  	s9 =	sor.u32 $0xD0000000, s2;
	s6 =	simm.s32 $0x108;
	_ =	swait.ge @!p0 [sflag:s8], $0x0  }
0x24: {  	s3 =	sadd.s32 $0x88, s3;
	s6 =	simm.s32 @!p1 $0x1082;
	[sflag:s4] =	ssyncset.s32 $0xFFFFF086  }
0x25: {  	[simem:s6], [sflag:s4] =	dma.local [hbm:s3], $0xF7A  }
0x26: {  	[smem:$0x3F9F] =	sst s1;
	(tag) =	ssettag s2;
	_ =	strace s9  }
0x27: {  	s1 =	sld [smem:$0x3FAF]  }
0x28: {  	s2 =	sld [smem:$0x3FB0]  }
0x29: {  	s4 =	sld [smem:$0x3FB2]  }
0x2a: {  	p0 =	seq.s32 s5, $0x0;
	s5 =	sld [smem:$0x3FB3]  }
0x2b: {  	s6 =	sld [smem:$0x3FB4]  }
0x2c: {  	s7 =	sld [smem:$0x3FB5]  }
0x2d: {  	s3 =	simm.s32 $0x108;
	s8 =	sld [smem:$0x3FB6]  }
0x2e: {  	s3 =	simm.s32 @!p0 $0x1082;
	s9 =	sld [smem:$0x3FB7]  }
0x2f: {  	lr =	sadd.s32 s0, s3;
	s0 =	sld [smem:$0x3FAE]  }
0x30: {  	s3 =	sld [smem:$0x3FB1]  }
0x31: {  	[smem:$0x3FBA] =	sst s10  }
0x32: {  	s10 =	sld [smem:$0x3FB8];
	_ =	sdelay $0x3  }
0x33: {  	p0 =	seq.s32 s10, $0x1;
	s10 =	sld [smem:$0x3FBA];
	_ =	sdelay $0x3  }
0x34: {  	[smem:$0x3FBA] =	sst s10  }
0x35: {  	s10 =	sld [smem:$0x3FB9];
	_ =	sdelay $0x3  }
0x36: {  	p1 =	seq.s32 s10, $0x1;
	s10 =	sld [smem:$0x3FBA];
	_ =	sdelay $0x3  }
0x37: {  	[smem:$0x3FBA] =	sst s10  }
0x38: {  	s10 =	sld [smem:$0x3FBB]  }
0x39: {  	_ = 	snop;
	(pc) =	sbr.ind lr, $3  }
0x3a: {  	_ = 	snop  }
0x3b: {  	_ = 	snop  }
0x3c: {  	p2 =	seq.s32 s10, $0x1;
	s10 =	sld [smem:$0x3FBA]  }
0x3d: {  	_ =	shalt  }
0x3e: {  	_ =	shalt  }
0x3f: {  	_ =	shalt  }
0x40: {  	_ =	shalt  }
0x41: {  	_ =	shalt  }
0x42: {  	_ =	shalt  }
0x43: {  	_ =	shalt  }
0x44: {  	_ =	shalt  }
0x45: {  	_ =	shalt  }
0x46: {  	_ =	shalt  }
0x47: {  	_ =	shalt  }
0x48: {  	_ =	shalt  }
0x49: {  	_ =	shalt  }
0x4a: {  	_ =	shalt  }
0x4b: {  	_ =	shalt  }
0x4c: {  	_ =	shalt  }
0x4d: {  	_ =	shalt  }
0x4e: {  	_ =	shalt  }
0x4f: {  	_ =	shalt  }
0x50: {  	_ =	shalt  }
0x51: {  	_ =	shalt  }
0x52: {  	_ =	shalt  }
0x53: {  	_ =	shalt  }
0x54: {  	_ =	shalt  }
0x55: {  	_ =	shalt  }
0x56: {  	_ =	shalt  }
0x57: {  	_ =	shalt  }
0x58: {  	_ =	shalt  }
0x59: {  	_ =	shalt  }
0x5a: {  	_ =	shalt  }
0x5b: {  	_ =	shalt  }
0x5c: {  	_ =	shalt  }
0x5d: {  	_ =	shalt  }
0x5e: {  	_ =	shalt  }
0x5f: {  	_ =	shalt  }
0x60: {  	_ =	shalt  }
0x61: {  	_ =	shalt  }
0x62: {  	_ =	shalt  }
0x63: {  	_ =	shalt  }
0x64: {  	_ =	shalt  }
0x65: {  	_ =	shalt  }
0x66: {  	_ =	shalt  }
0x67: {  	_ =	shalt  }
0x68: {  	_ =	shalt  }
0x69: {  	_ =	shalt  }
0x6a: {  	_ =	shalt  }
0x6b: {  	_ =	shalt  }
0x6c: {  	_ =	shalt  }
0x6d: {  	_ =	shalt  }
0x6e: {  	_ =	shalt  }
0x6f: {  	_ =	shalt  }
0x70: {  	_ =	shalt  }
0x71: {  	_ =	shalt  }
0x72: {  	_ =	shalt  }
0x73: {  	_ =	shalt  }
0x74: {  	_ =	shalt  }
0x75: {  	_ =	shalt  }
0x76: {  	_ =	shalt  }
0x77: {  	_ =	shalt  }
0x78: {  	_ =	shalt  }
0x79: {  	_ =	shalt  }
0x7a: {  	_ =	shalt  }
0x7b: {  	_ =	shalt  }
0x7c: {  	_ =	shalt  }
0x7d: {  	_ =	shalt  }
0x7e: {  	_ =	shalt  }
0x7f: {  	_ =	shalt  }
0x80: {  	_ =	shalt  }
0x81: {  	_ =	shalt  }
0x82: {  	_ =	shalt  }
0x83: {  	_ =	shalt  }
0x84: {  	_ =	shalt  }
0x85: {  	_ =	shalt  }
0x86: {  	_ =	shalt  }
0x87: {  	_ =	shalt  }
.Lfunc_end0:
.L_simem_size_0:
called_computation_lowered:
.L_overlay_start_0:
0x88: {  	s2 =	sld [smem:$0x3FD9]  }
0x89: {  	s3 =	sld [smem:$0x3FFE];
	_ =	sdelay $0x1  }
0x8a: {  	s1 =	srdreg.scid  }
0x8b: {  	s0 =	sand.u32 $0x1, s1  }
0x8c: {  	s17 =	sshll.u32 s0, $0xA;
	s2 =	sadd.s32 s3, s2  }
0x8d: {  	s2 =	sadd.s32 s2, s17  }
0x8e: {  	[smem:$0x3FC6] =	sst s2  }
0x8f: {  	_ = 	snop  }
0x90: {  	s2 =	sld [smem:$0x3FD0];
	(tm) =	ssettm $0x1  }
0x91: {  	s18 =	sld [smem:$0x3FFB];
	_ =	sdelay $0x3  }
0x92: {  	_ =	strace s18  }
0x93: {  	s3 =	sld [smem:$0x3FFC];
	_ =	sdelay $0x3  }
0x94: {  	_ =	strace s3  }
0x95: {  	s3 =	sld [smem:$0x3FFD];
	_ =	sdelay $0x3  }
0x96: {  	_ =	strace s3  }
0x97: {  	_ =	strace $0x8FFFFFFF  }
0x98: {  	s19 =	sld [smem:$0x3FDB];
	_ =	sdelay $0x1  }
0x99: {  	s4 =	simm.s32 $_scs_section_size  }
0x9a: {  	s5 =	simm.s32 $_size__tile_overlayer_lowered;
	s6 =	simm.s32 $_tile_overlayer_lowered  }
0x9b: {  	s22 =	simm.s32 $0x1BFF;
	s21 =	sshll.u32 s6, $0x1;
	s3 =	sadd.s32 s4, s19  }
0x9c: {  	s7 =	simm.s32 $0x0;
	s20 =	sshll.u32 s5, $0x1;
	s5 =	sadd.s32 s21, s3  }
0x9d: {  	[timem:s7], [sflag:s22] =	dma.local [hbm:s5], s20  }
0x9e: {  	_ =	swait.ge [sflag:s22], s20  }
0x9f: {  	s4 =	ssub.s32 $0x0, s20;
	[sflag:s22] =	ssyncset.done $0x0  }
0xa0: {  	[sflag:s22] =	ssyncadd.s32 s4;
	_ =	sdelay $0x1  }
0xa1: {  	s23 =	simm.s32 $0x1B8B  }
0xa2: {  	_ =	swait.ge [sflag:s23], $0x1  }
0xa3: {  	[sflag:s23] =	ssyncset.done $0x0  }
0xa4: {  	s25 =	simm.s32 $0x1B8E;
	s24 =	sld [smem:$0x3FFE];
	[sflag:s23] =	ssyncadd.s32 $0xFFFFFFFF  }
0xa5: {  	s26 =	simm.s32 $execute0_lowered;
	[smem:$0x3FD2] =	sst s25  }
0xa6: {  	s5 =	sshll.u32 s26, $0x1;
	_ =	strace $0x80000046;
	[dreg:$0x1] =	wrdreg $0xFFFFFFFF  }
0xa7: {  	s28 =	simm.s32 $_size_execute0_lowered;
	s3 =	sadd.s32 s3, s5;
	[dreg:$0x0] =	wrdreg $0x0  }
0xa8: {  	s5 =	sshll.u32 s28, $0x1;
	[dreg:$0x2] =	wrdreg s3  }
0xa9: {  	[dreg:$0x3] =	wrdreg s5  }
0xaa: {  	[dreg:$0x4] =	wrdreg $0xC0  }
0xab: {  	_ =	task [dreg:s7], $0x5FFFF  }
0xac: {  	[dreg:$0x1] =	wrdreg $0xFFFFFFFF  }
0xad: {  	[dreg:$0x0] =	wrdreg $0x60  }
0xae: {  	[dreg:$0x2] =	wrdreg s2  }
0xaf: {  	[dreg:$0x3] =	wrdreg s24  }
0xb0: {  	[dreg:$0x4] =	wrdreg $0x9  }
0xb1: {  	_ =	task.clear_ibuf [dreg:s7], $0x5FFFF;
	_ =	strace $0x90000046  }
0xb2: {  	s29 =	simm.s32 $0x9;
	_ =	strace $0x80000048  }
0xb3: {  	_ =	swait.ge [sflag:s29], $0x1  }
0xb4: {  	[sflag:s29] =	ssyncadd.s32 $0xFFFFFFFF  }
0xb5: {  	_ =	strace $0x90000048  }
0xb6: {  	_ =	sfence  }
0xb7: {  	s30 =	sld [smem:$0x0];
	_ =	sdelay $0x2  }
0xb8: {  	s31 =	sshll.u32 s1, $0xD;
	s1 =	sshrl.u32 s1, $0x2  }
0xb9: {  	s3 =	sand.u32 $0x4000, s31;
	s1 =	sadd.s32 s1, s30  }
0xba: {  	s0 =	sor.u32 s3, s0;
	s1 =	sshll.u32 s1, $0x11  }
0xbb: {  	s0 =	sor.u32 s1, s0  }
0xbc: {  	s0 =	sadd.s32 $0x8F2B, s0  }
0xbd: {  	[sflag:s0] =	ssyncadd.remote.s32 $0x1  }
0xbe: {  	_ =	sfence.sel $0xFFFF  }
0xbf: {  	[dreg:$0x0] =	wrdreg $0xFFFFFFFF;
	(pc) =	sbr.abs _section_cstart, $3  }
0xc0: {  	[dreg:$0x1] =	wrdreg $0xFFFFFFFF  }
0xc1: {  	_ =	task.clear_ibuf [dreg:s7], $0x2FFFF;
	_ =	strace $0x9FFFFFFF  }
0xc2: {  	(tm) =	ssettm $0x7FFFFFFF  }
0xc3: {  	_ =	shalt  }
tec
execute0_lowered:
.L_overlay_start_1:
0x0: {  	(tag) =	ssettag $0x1  }
0x1: {  	s1 =	rddreg [dreg:$0x0]  }
0x2: {  	s5 =	rddreg [dreg:$0x1]  }
0x3: {  	s0 =	rddreg [dreg:$0x2];
	s3 =	simm.s32 $0x0;
	s4 =	srdreg.scid  }
0x4: {  	s2 =	stileid.u32;
	s11 =	simm.s32 $0x4000;
	s12 =	simm.s32 $0xF1E8  }
0x5: {  	s13 =	simm.s32 $0x3;
	s14 =	simm.s32 $0x111E8;
	s15 =	simm.s32 $0x1  }
0x6: {  	s16 =	simm.s32 $0x2;
	s17 =	simm.s32 $0x131E8;
	s18 =	simm.s32 $0x4  }
0x7: {  	s19 =	simm.s32 $0x0;
	[smem:$0x7FF] =	sst s3;
	s6 =	sand.u32 $0x1, s4  }
0x8: {  	s7 =	smul.u32 $0x1E3D, s2;
	s8 =	sshll.u32 s2, $0xE;
	s4 =	sshll.u32 s6, $0xD  }
0x9: {  	_ =	strace $0x80000047;
	s9 =	ssub.s32 $0x2, s6;
	s6 =	sshll.u32 s6, $0xA  }
0xa: {  	s8 =	sor.u32 s4, s8;
	s7 =	sadd.s32 s7, s5;
	s10 =	sshrl.u32 s9, $0x1  }
0xb: {  	s6 =	sadd.s32 s1, s6;
	s8 =	sshrl.u32 s8, $0x3;
	s9 =	ssub.s32 s9, s10  }
0xc: {  	s10 =	simm.s32 $0x400;
	s8 =	sadd.s32 s8, s5;
	s5 =	sadd.s32 $0x400, s7  }
0xd: {  	s7 =	sor.u32 $0x800, s4;
	s9 =	smax.u32 s9, $0x1;
	s8 =	sadd.s32 $0x1E800, s8  }
.LBB2_1:
0xe: {  	[tilespmem:s3], [sflag:$0x3] =	stream.linear.gather [hbm4b:s5+s3], $0xF1E8, $0x38;
	[tilespmem:$0x151E8] =	vst v63  }
0xf: {  	_ = 	snop  }
0x10: {  	[tilespmem:s12], [sflag:$0x1] =	stream.strided.gather [hbm4b:s6+s10], $0x2000, s11, s10, $0x38;
	[tilespmem:$0x151E8] =	vst v63  }
0x11: {  	_ =	swait.ge [sflag:s13], $0xF1E8  }
0x12: {  	s20 =	simm.s32 $0x13208;
	[sflag:s13] =	ssyncset.done $0x0  }
0x13: {  	s21 =	simm.s32 $0x13618;
	s22 =	simm.s32 $0x0;
	[sflag:s13] =	ssyncadd.s32 $0xFFFF0E18  }
.LBB2_3:
0x14: {  	s23 =	sshll.u32 s22, $0xB  }
0x15: {  	s24 =	sor.u32 s4, s23  }
0x16: {  	s24 =	sor.u32 $0x400, s24  }
0x17: {  	s24 =	sshrl.u32 s24, $0x3  }
0x18: {  	s24 =	sadd.s32 s1, s24  }
0x19: {  	[tilespmem:s14], [sflag:$0x2] =	stream.strided.gather [hbm4b:s24+s10], $0x2000, s11, s10, $0x38;
	[tilespmem:$0x151E8] =	vst v63  }
0x1a: {  	_ =	swait.ge [sflag:s15], $0x2000  }
0x1b: {  	[sflag:s15] =	ssyncset.done $0x0  }
0x1c: {  	s31 =	simm.s32 $0x101E8;
	[sflag:s15] =	ssyncadd.s32 $0xFFFFE000  }
0x1d: {  	v0 =	vld [tilespmem:s31+$0xFFFFF030]  }
0x1e: {  	v1 =	vld [tilespmem:s31+$0xFFFFF430]  }
0x1f: {  	v2 =	vld [tilespmem:s31+$0xFFFFF400]  }
0x20: {  	v3 =	vld [tilespmem:s31+$0xFFFFF830]  }
0x21: {  	v4 =	vld [tilespmem:s31+$0xFFFFF010]  }
0x22: {  	v5 =	vld [tilespmem:s31+$0xFFFFFC30]  }
0x23: {  	v6 =	vld [tilespmem:s31+$0x430]  }
0x24: {  	v7 =	vld [tilespmem:s31+$0x30]  }
0x25: {  	v8 =	vld [tilespmem:s31+$0x830]  }
0x26: {  	v9 =	vld [tilespmem:s31+$0xC30]  }
0x27: {  	v10 =	vld [tilespmem:s31+$0xFFFFF410]  }
0x28: {  	v11 =	vld [tilespmem:s31+$0xFFFFF020]  }
0x29: {  	v12 =	vld [tilespmem:s31+$0xFFFFF420]  }
0x2a: {  	v13 =	vld [tilespmem:s31+$0xFFFFF000]  }
0x2b: {  	v14 =	vld [tilespmem:s31+$0xFFFFF800]  }
0x2c: {  	v15 =	vld [tilespmem:s31+$0xFFFFF810]  }
0x2d: {  	v16 =	vld [tilespmem:s31+$0xFFFFF820]  }
0x2e: {  	v17 =	vld [tilespmem:s31+$0xFFFFFC00]  }
0x2f: {  	v18 =	vld [tilespmem:s31+$0xFFFFFC10]  }
0x30: {  	v19 =	vld [tilespmem:s31+$0xFFFFFC20]  }
0x31: {  	v20 =	vld [tilespmem:s31+$0x0]  }
0x32: {  	v21 =	vld [tilespmem:s31+$0x10]  }
0x33: {  	v22 =	vld [tilespmem:s31+$0x20]  }
0x34: {  	v23 =	vld [tilespmem:s31+$0x400]  }
0x35: {  	v24 =	vld [tilespmem:s31+$0x410]  }
0x36: {  	v25 =	vld [tilespmem:s31+$0x420]  }
0x37: {  	v26 =	vld [tilespmem:s31+$0x810]  }
0x38: {  	v60 =	vld [tilespmem:s31+$0xC10]  }
0x39: {  	v61 =	vld [tilespmem:s31+$0xC20]  }
0x3a: {  	v0 =	vld.idx.msk [tilespmem:v0+s3+$0x0], $0xffff  }
0x3b: {  	v1 =	vld.idx.msk [tilespmem:v1+s3+$0x0], $0xffff  }
0x3c: {  	v3 =	vld.idx.msk [tilespmem:v3+s3+$0x0], $0xffff  }
0x3d: {  	v5 =	vld.idx.msk [tilespmem:v5+s3+$0x0], $0xffff  }
0x3e: {  	v7 =	vld.idx.msk [tilespmem:v7+s3+$0x0], $0xffff  }
0x3f: {  	v6 =	vld.idx.msk [tilespmem:v6+s3+$0x0], $0xffff  }
0x40: {  	v8 =	vld.idx.msk [tilespmem:v8+s3+$0x0], $0xffff  }
0x41: {  	v9 =	vld.idx.msk [tilespmem:v9+s3+$0x0], $0xffff  }
0x42: {  	v13 =	vld.idx.msk [tilespmem:v13+s3+$0x0], $0xffff  }
0x43: {  	v2 =	vld.idx.msk [tilespmem:v2+s3+$0x0], $0xffff  }
0x44: {  	v4 =	vld.idx.msk [tilespmem:v4+s3+$0x0], $0xffff  }
0x45: {  	v10 =	vld.idx.msk [tilespmem:v10+s3+$0x0], $0xffff  }
0x46: {  	v11 =	vld.idx.msk [tilespmem:v11+s3+$0x0], $0xffff  }
0x47: {  	v12 =	vld.idx.msk [tilespmem:v12+s3+$0x0], $0xffff  }
0x48: {  	v14 =	vld.idx.msk [tilespmem:v14+s3+$0x0], $0xffff  }
0x49: {  	v15 =	vld.idx.msk [tilespmem:v15+s3+$0x0], $0xffff  }
0x4a: {  	v16 =	vld.idx.msk [tilespmem:v16+s3+$0x0], $0xffff  }
0x4b: {  	v17 =	vld.idx.msk [tilespmem:v17+s3+$0x0], $0xffff;
	v0 =	vadd.f32 v1, v0  }
0x4c: {  	v18 =	vld.idx.msk [tilespmem:v18+s3+$0x0], $0xffff  }
0x4d: {  	v19 =	vld.idx.msk [tilespmem:v19+s3+$0x0], $0xffff;
	v0 =	vadd.f32 v3, v0  }
0x4e: {  	v1 =	vld [tilespmem:s31+$0x800]  }
0x4f: {  	v20 =	vld.idx.msk [tilespmem:v20+s3+$0x0], $0xffff;
	v0 =	vadd.f32 v5, v0  }
0x50: {  	v59 =	vld.idx.msk [tilespmem:v22+s3+$0x0], $0xffff  }
0x51: {  	v3 =	vld [tilespmem:s31+$0x820];
	v0 =	vadd.f32 v7, v0  }
0x52: {  	v4 =	vadd.f32 v10, v4;
	v5 =	vld.idx.msk [tilespmem:v21+s3+$0x0], $0xffff  }
0x53: {  	v2 =	vadd.f32 v2, v13;
	v7 =	vld [tilespmem:s31+$0xC00];
	v0 =	vadd.f32 v6, v0  }
0x54: {  	v10 =	vld.idx.msk [tilespmem:v23+s3+$0x0], $0xffff;
	v4 =	vadd.f32 v15, v4;
	v6 =	vadd.f32 v12, v11  }
0x55: {  	v2 =	vadd.f32 v14, v2;
	v11 =	vld.idx.msk [tilespmem:v25+s3+$0x0], $0xffff;
	v0 =	vadd.f32 v8, v0  }
0x56: {  	v4 =	vadd.f32 v18, v4;
	v1 =	vld.idx.msk [tilespmem:v1+s3+$0x0], $0xffff;
	v6 =	vadd.f32 v16, v6  }
0x57: {  	v8 =	vld.idx.msk [tilespmem:v24+s3+$0x0], $0xffff;
	v9 =	vadd.f32 v9, v0;
	v0 =	vadd.f32 v17, v2  }
0x58: {  	v5 =	vadd.f32 v5, v4;
	v4 =	vld.idx.msk [tilespmem:v60+s3+$0x0], $0xffff;
	v6 =	vadd.f32 v19, v6  }
0x59: {  	v2 =	vld.idx.msk [tilespmem:v26+s3+$0x0], $0xffff;
	v62 =	vadd.f32 v20, v0  }
0x5a: {  	v0 =	vld.idx.msk [tilespmem:v3+s3+$0x0], $0xffff;
	v9 =	vmul.f32 $1.250000000e-01, v9;
	v63 =	vadd.f32 v59, v6  }
0x5b: {  	v3 =	vld.idx.msk [tilespmem:v7+s3+$0x0], $0xffff;
	v6 =	vadd.f32 v10, v62  }
0x5c: {  	s25 =	simm.s32 $0x0;
	s26 =	simm.s32 $0x10228;
	s24 =	smov.u32 s20;
	v8 =	vadd.f32 v8, v5;
	v5 =	vld.idx.msk [tilespmem:v61+s3+$0x0], $0xffff;
	[tilespmem:s20+$0x10] =	vst v9;
	v7 =	vadd.f32 v11, v63  }
.LBB2_4:
0x5d: {  	v9 =	vld [tilespmem:s26+$0xFFFFF030];
	v1 =	vadd.f32 v1, v6  }
0x5e: {  	s25 =	sadd.s32 $0x4, s25;
	v2 =	vadd.f32 v2, v8;
	v6 =	vld [tilespmem:s26+$0xFFFFF430]  }
0x5f: {  	p0 =	slt.u32 s25, $0x3C;
	v0 =	vadd.f32 v0, v7;
	v8 =	vld [tilespmem:s26+$0xFFFFF400]  }
0x60: {  	v1 =	vadd.f32 v3, v1;
	v7 =	vld [tilespmem:s26+$0xFFFFF830]  }
0x61: {  	v2 =	vadd.f32 v4, v2;
	v3 =	vld [tilespmem:s26+$0xFFFFF010]  }
0x62: {  	v1 =	vmul.f32 $1.250000000e-01, v1;
	v0 =	vadd.f32 v5, v0;
	v4 =	vld [tilespmem:s26+$0xFFFFFC30]  }
0x63: {  	v2 =	vmul.f32 $1.250000000e-01, v2;
	v5 =	vld [tilespmem:s26+$0x430]  }
0x64: {  	v0 =	vmul.f32 $1.250000000e-01, v0;
	v10 =	vld [tilespmem:s26+$0x30];
	[tilespmem:s24+$0xFFFFFFE0] =	vst v1  }
0x65: {  	v1 =	vld.idx.msk [tilespmem:v9+s3+$0x0], $0xffff;
	[tilespmem:s24+$0xFFFFFFF0] =	vst v2  }
0x66: {  	v2 =	vld.idx.msk [tilespmem:v6+s3+$0x0], $0xffff;
	[tilespmem:s24+$0x0] =	vst v0  }
0x67: {  	v0 =	vld [tilespmem:s26+$0x830]  }
0x68: {  	v6 =	vld.idx.msk [tilespmem:v7+s3+$0x0], $0xffff  }
0x69: {  	v7 =	vld [tilespmem:s26+$0xC30]  }
0x6a: {  	v4 =	vld.idx.msk [tilespmem:v4+s3+$0x0], $0xffff  }
0x6b: {  	v9 =	vld [tilespmem:s26+$0xFFFFF410]  }
0x6c: {  	v1 =	vadd.f32 v2, v1;
	v2 =	vld.idx.msk [tilespmem:v10+s3+$0x0], $0xffff  }
0x6d: {  	v10 =	vld [tilespmem:s26+$0xFFFFF020]  }
0x6e: {  	v1 =	vadd.f32 v6, v1;
	v5 =	vld.idx.msk [tilespmem:v5+s3+$0x0], $0xffff  }
0x6f: {  	v6 =	vld [tilespmem:s26+$0xFFFFF420]  }
0x70: {  	v1 =	vadd.f32 v4, v1;
	v0 =	vld.idx.msk [tilespmem:v0+s3+$0x0], $0xffff  }
0x71: {  	v4 =	vld [tilespmem:s26+$0xFFFFF000]  }
0x72: {  	v1 =	vadd.f32 v2, v1;
	v2 =	vld.idx.msk [tilespmem:v7+s3+$0x0], $0xffff  }
0x73: {  	v7 =	vld [tilespmem:s26+$0xFFFFF800]  }
0x74: {  	v1 =	vadd.f32 v5, v1;
	v11 =	vld [tilespmem:s26+$0xFFFFF810]  }
0x75: {  	v5 =	vld [tilespmem:s26+$0xFFFFF820]  }
0x76: {  	v0 =	vadd.f32 v0, v1;
	v12 =	vld [tilespmem:s26+$0xFFFFFC00]  }
0x77: {  	v1 =	vld [tilespmem:s26+$0xFFFFFC10]  }
0x78: {  	v0 =	vadd.f32 v2, v0;
	v13 =	vld [tilespmem:s26+$0xFFFFFC20]  }
0x79: {  	v2 =	vld.idx.msk [tilespmem:v4+s3+$0x0], $0xffff  }
0x7a: {  	v0 =	vmul.f32 $1.250000000e-01, v0;
	v4 =	vld.idx.msk [tilespmem:v8+s3+$0x0], $0xffff  }
0x7b: {  	s24 =	sadd.s32 $0x40, s24;
	v3 =	vld.idx.msk [tilespmem:v3+s3+$0x0], $0xffff  }
0x7c: {  	v8 =	vld.idx.msk [tilespmem:v9+s3+$0x0], $0xffff;
	[tilespmem:s24+$0x10] =	vst v0  }
0x7d: {  	v0 =	vld.idx.msk [tilespmem:v10+s3+$0x0], $0xffff  }
0x7e: {  	v6 =	vld.idx.msk [tilespmem:v6+s3+$0x0], $0xffff  }
0x7f: {  	v9 =	vld [tilespmem:s26+$0x0]  }
0x80: {  	v2 =	vadd.f32 v4, v2;
	v4 =	vld [tilespmem:s26+$0x10]  }
0x81: {  	v10 =	vld [tilespmem:s26+$0x20]  }
0x82: {  	v3 =	vadd.f32 v8, v3;
	v7 =	vld.idx.msk [tilespmem:v7+s3+$0x0], $0xffff  }
0x83: {  	v8 =	vld.idx.msk [tilespmem:v11+s3+$0x0], $0xffff  }
0x84: {  	v0 =	vadd.f32 v6, v0;
	v5 =	vld.idx.msk [tilespmem:v5+s3+$0x0], $0xffff  }
0x85: {  	v6 =	vld [tilespmem:s26+$0x400]  }
0x86: {  	v11 =	vld [tilespmem:s26+$0x410]  }
0x87: {  	v14 =	vld [tilespmem:s26+$0x420]  }
0x88: {  	v2 =	vadd.f32 v7, v2;
	v7 =	vld.idx.msk [tilespmem:v12+s3+$0x0], $0xffff  }
0x89: {  	v3 =	vadd.f32 v8, v3;
	v1 =	vld.idx.msk [tilespmem:v1+s3+$0x0], $0xffff  }
0x8a: {  	v0 =	vadd.f32 v5, v0;
	v5 =	vld.idx.msk [tilespmem:v13+s3+$0x0], $0xffff  }
0x8b: {  	v8 =	vld [tilespmem:s26+$0x800]  }
0x8c: {  	v12 =	vld [tilespmem:s26+$0x810]  }
0x8d: {  	v13 =	vld [tilespmem:s26+$0x820]  }
0x8e: {  	v2 =	vadd.f32 v7, v2;
	v7 =	vld.idx.msk [tilespmem:v9+s3+$0x0], $0xffff  }
0x8f: {  	v1 =	vadd.f32 v1, v3;
	v3 =	vld.idx.msk [tilespmem:v4+s3+$0x0], $0xffff  }
0x90: {  	v0 =	vadd.f32 v5, v0;
	v4 =	vld.idx.msk [tilespmem:v10+s3+$0x0], $0xffff  }
0x91: {  	v5 =	vld [tilespmem:s26+$0xC00]  }
0x92: {  	v9 =	vld [tilespmem:s26+$0xC10]  }
0x93: {  	v10 =	vld [tilespmem:s26+$0xC20]  }
0x94: {  	v7 =	vadd.f32 v7, v2;
	v6 =	vld.idx.msk [tilespmem:v6+s3+$0x0], $0xffff  }
0x95: {  	v15 =	vadd.f32 v3, v1;
	v11 =	vld.idx.msk [tilespmem:v11+s3+$0x0], $0xffff  }
0x96: {  	v16 =	vadd.f32 v4, v0;
	v14 =	vld.idx.msk [tilespmem:v14+s3+$0x0], $0xffff  }
0x97: {  	v1 =	vld.idx.msk [tilespmem:v8+s3+$0x0], $0xffff  }
.Ltmp0:
0x98: {  	v2 =	vld.idx.msk [tilespmem:v12+s3+$0x0], $0xffff;
	(pc) =	sbr.rel @p0 .LBB2_4-.Ltmp0, $4  }
0x99: {  	v0 =	vld.idx.msk [tilespmem:v13+s3+$0x0], $0xffff  }
0x9a: {  	v6 =	vadd.f32 v6, v7;
	v3 =	vld.idx.msk [tilespmem:v5+s3+$0x0], $0xffff  }
0x9b: {  	v8 =	vadd.f32 v11, v15;
	v4 =	vld.idx.msk [tilespmem:v9+s3+$0x0], $0xffff  }
0x9c: {  	s26 =	sadd.s32 $0x40, s26;
	v7 =	vadd.f32 v14, v16;
	v5 =	vld.idx.msk [tilespmem:v10+s3+$0x0], $0xffff  }
0x9d: {  	v1 =	vadd.f32 v1, v6  }
0x9e: {  	v2 =	vadd.f32 v2, v8  }
0x9f: {  	v0 =	vadd.f32 v0, v7;
	v1 =	vadd.f32 v3, v1  }
0xa0: {  	v2 =	vadd.f32 v4, v2  }
0xa1: {  	v1 =	vmul.f32 $1.250000000e-01, v1;
	v0 =	vadd.f32 v5, v0  }
0xa2: {  	p0 =	seq.s32 s22, $0x3;
	v2 =	vmul.f32 $1.250000000e-01, v2  }
0xa3: {  	s23 =	sadd.s32 @!p0 s23, s7;
	[tilespmem:s24+$0xFFFFFFE0] =	vst v1;
	v0 =	vmul.f32 $1.250000000e-01, v0  }
0xa4: {  	s25 =	simm.s32 @!p0 $0x4000;
	s23 =	sshrl.u32 @!p0 s23, $0x3;
	[tilespmem:s24+$0xFFFFFFF0] =	vst v2  }
0xa5: {  	s26 =	simm.s32 @!p0 $0xF1E8;
	s23 =	sadd.s32 @!p0 s1, s23;
	[tilespmem:s24+$0x0] =	vst v0;
	s24 =	simm.s32 @!p0 $0x400  }
0xa6: {  	[tilespmem:s26], [sflag:$0x1] =	stream.strided.gather @!p0 [hbm4b:s23+s24], $0x2000, s25, s24, $0x38;
	[tilespmem:$0x151E8] =	vst v63  }
0xa7: {  	_ =	swait.ge [sflag:s16], $0x2000  }
0xa8: {  	[sflag:s16] =	ssyncset.done $0x0  }
0xa9: {  	s31 =	simm.s32 $0x12E18;
	[sflag:s16] =	ssyncadd.s32 $0xFFFFE000  }
0xaa: {  	v0 =	vld [tilespmem:s31+$0xFFFFE400]  }
0xab: {  	v1 =	vld [tilespmem:s31+$0xFFFFE800]  }
0xac: {  	v2 =	vld [tilespmem:s31+$0xFFFFE7D0]  }
0xad: {  	v3 =	vld [tilespmem:s31+$0xFFFFEC00]  }
0xae: {  	v4 =	vld [tilespmem:s31+$0xFFFFE3E0]  }
0xaf: {  	v5 =	vld [tilespmem:s31+$0xFFFFF000]  }
0xb0: {  	v6 =	vld [tilespmem:s31+$0xFFFFF800]  }
0xb1: {  	v7 =	vld [tilespmem:s31+$0xFFFFF400]  }
0xb2: {  	v8 =	vld [tilespmem:s31+$0xFFFFFC00]  }
0xb3: {  	v9 =	vld [tilespmem:s31+$0x0]  }
0xb4: {  	v10 =	vld [tilespmem:s31+$0xFFFFE7E0]  }
0xb5: {  	v11 =	vld [tilespmem:s31+$0xFFFFE3F0]  }
0xb6: {  	v12 =	vld [tilespmem:s31+$0xFFFFE7F0]  }
0xb7: {  	v13 =	vld [tilespmem:s31+$0xFFFFE3D0]  }
0xb8: {  	v14 =	vld [tilespmem:s31+$0xFFFFEBD0]  }
0xb9: {  	v15 =	vld [tilespmem:s31+$0xFFFFEBE0]  }
0xba: {  	v16 =	vld [tilespmem:s31+$0xFFFFEBF0]  }
0xbb: {  	v17 =	vld [tilespmem:s31+$0xFFFFEFD0]  }
0xbc: {  	v18 =	vld [tilespmem:s31+$0xFFFFEFE0]  }
0xbd: {  	v19 =	vld [tilespmem:s31+$0xFFFFEFF0]  }
0xbe: {  	v20 =	vld [tilespmem:s31+$0xFFFFF3D0]  }
0xbf: {  	v21 =	vld [tilespmem:s31+$0xFFFFF3E0]  }
0xc0: {  	v22 =	vld [tilespmem:s31+$0xFFFFF3F0]  }
0xc1: {  	v23 =	vld [tilespmem:s31+$0xFFFFF7D0]  }
0xc2: {  	v24 =	vld [tilespmem:s31+$0xFFFFF7E0]  }
0xc3: {  	v25 =	vld [tilespmem:s31+$0xFFFFF7F0]  }
0xc4: {  	v26 =	vld [tilespmem:s31+$0xFFFFFBE0]  }
0xc5: {  	v60 =	vld [tilespmem:s31+$0xFFFFFFE0]  }
0xc6: {  	v61 =	vld [tilespmem:s31+$0xFFFFFFF0]  }
0xc7: {  	v0 =	vld.idx.msk [tilespmem:v0+s3+$0x0], $0xffff  }
0xc8: {  	v1 =	vld.idx.msk [tilespmem:v1+s3+$0x0], $0xffff  }
0xc9: {  	v3 =	vld.idx.msk [tilespmem:v3+s3+$0x0], $0xffff  }
0xca: {  	v5 =	vld.idx.msk [tilespmem:v5+s3+$0x0], $0xffff  }
0xcb: {  	v7 =	vld.idx.msk [tilespmem:v7+s3+$0x0], $0xffff  }
0xcc: {  	v6 =	vld.idx.msk [tilespmem:v6+s3+$0x0], $0xffff  }
0xcd: {  	v8 =	vld.idx.msk [tilespmem:v8+s3+$0x0], $0xffff  }
0xce: {  	v9 =	vld.idx.msk [tilespmem:v9+s3+$0x0], $0xffff  }
0xcf: {  	v13 =	vld.idx.msk [tilespmem:v13+s3+$0x0], $0xffff  }
0xd0: {  	v2 =	vld.idx.msk [tilespmem:v2+s3+$0x0], $0xffff  }
0xd1: {  	v4 =	vld.idx.msk [tilespmem:v4+s3+$0x0], $0xffff  }
0xd2: {  	v10 =	vld.idx.msk [tilespmem:v10+s3+$0x0], $0xffff  }
0xd3: {  	v11 =	vld.idx.msk [tilespmem:v11+s3+$0x0], $0xffff  }
0xd4: {  	v12 =	vld.idx.msk [tilespmem:v12+s3+$0x0], $0xffff  }
0xd5: {  	v14 =	vld.idx.msk [tilespmem:v14+s3+$0x0], $0xffff  }
0xd6: {  	v15 =	vld.idx.msk [tilespmem:v15+s3+$0x0], $0xffff  }
0xd7: {  	v16 =	vld.idx.msk [tilespmem:v16+s3+$0x0], $0xffff  }
0xd8: {  	v17 =	vld.idx.msk [tilespmem:v17+s3+$0x0], $0xffff;
	v0 =	vadd.f32 v1, v0  }
0xd9: {  	v18 =	vld.idx.msk [tilespmem:v18+s3+$0x0], $0xffff  }
0xda: {  	v19 =	vld.idx.msk [tilespmem:v19+s3+$0x0], $0xffff;
	v0 =	vadd.f32 v3, v0  }
0xdb: {  	v1 =	vld [tilespmem:s31+$0xFFFFFBD0]  }
0xdc: {  	v20 =	vld.idx.msk [tilespmem:v20+s3+$0x0], $0xffff;
	v0 =	vadd.f32 v5, v0  }
0xdd: {  	v59 =	vld.idx.msk [tilespmem:v22+s3+$0x0], $0xffff  }
0xde: {  	v3 =	vld [tilespmem:s31+$0xFFFFFBF0];
	v0 =	vadd.f32 v7, v0  }
0xdf: {  	v4 =	vadd.f32 v10, v4;
	v5 =	vld.idx.msk [tilespmem:v21+s3+$0x0], $0xffff  }
0xe0: {  	v2 =	vadd.f32 v2, v13;
	v7 =	vld [tilespmem:s31+$0xFFFFFFD0];
	v0 =	vadd.f32 v6, v0  }
0xe1: {  	v10 =	vld.idx.msk [tilespmem:v23+s3+$0x0], $0xffff;
	v4 =	vadd.f32 v15, v4;
	v6 =	vadd.f32 v12, v11  }
0xe2: {  	v2 =	vadd.f32 v14, v2;
	v11 =	vld.idx.msk [tilespmem:v25+s3+$0x0], $0xffff;
	v0 =	vadd.f32 v8, v0  }
0xe3: {  	v4 =	vadd.f32 v18, v4;
	v1 =	vld.idx.msk [tilespmem:v1+s3+$0x0], $0xffff;
	v6 =	vadd.f32 v16, v6  }
0xe4: {  	v8 =	vld.idx.msk [tilespmem:v24+s3+$0x0], $0xffff;
	v9 =	vadd.f32 v9, v0;
	v0 =	vadd.f32 v17, v2  }
0xe5: {  	v5 =	vadd.f32 v5, v4;
	v4 =	vld.idx.msk [tilespmem:v60+s3+$0x0], $0xffff;
	v6 =	vadd.f32 v19, v6  }
0xe6: {  	v2 =	vld.idx.msk [tilespmem:v26+s3+$0x0], $0xffff;
	v62 =	vadd.f32 v20, v0  }
0xe7: {  	v0 =	vld.idx.msk [tilespmem:v3+s3+$0x0], $0xffff;
	v9 =	vmul.f32 $1.250000000e-01, v9;
	v63 =	vadd.f32 v59, v6  }
0xe8: {  	s22 =	sadd.s32 $0x1, s22;
	v3 =	vld.idx.msk [tilespmem:v7+s3+$0x0], $0xffff;
	v6 =	vadd.f32 v10, v62  }
0xe9: {  	s24 =	simm.s32 $0x0;
	s25 =	simm.s32 $0x12E58;
	s23 =	smov.u32 s21;
	v8 =	vadd.f32 v8, v5;
	v5 =	vld.idx.msk [tilespmem:v61+s3+$0x0], $0xffff;
	[tilespmem:s21+$0x0] =	vst v9;
	v7 =	vadd.f32 v11, v63  }
.LBB2_6:
0xea: {  	v9 =	vld [tilespmem:s25+$0xFFFFE400];
	v1 =	vadd.f32 v1, v6  }
0xeb: {  	s24 =	sadd.s32 $0x4, s24;
	v2 =	vadd.f32 v2, v8;
	v6 =	vld [tilespmem:s25+$0xFFFFE800]  }
0xec: {  	p0 =	slt.u32 s24, $0x3C;
	v0 =	vadd.f32 v0, v7;
	v8 =	vld [tilespmem:s25+$0xFFFFE7D0]  }
0xed: {  	v1 =	vadd.f32 v3, v1;
	v7 =	vld [tilespmem:s25+$0xFFFFEC00]  }
0xee: {  	v2 =	vadd.f32 v4, v2;
	v3 =	vld [tilespmem:s25+$0xFFFFE3E0]  }
0xef: {  	v1 =	vmul.f32 $1.250000000e-01, v1;
	v0 =	vadd.f32 v5, v0;
	v4 =	vld [tilespmem:s25+$0xFFFFF000]  }
0xf0: {  	v2 =	vmul.f32 $1.250000000e-01, v2;
	v5 =	vld [tilespmem:s25+$0xFFFFF800]  }
0xf1: {  	v0 =	vmul.f32 $1.250000000e-01, v0;
	v10 =	vld [tilespmem:s25+$0xFFFFF400];
	[tilespmem:s23+$0xFFFFFFD0] =	vst v1  }
0xf2: {  	v1 =	vld.idx.msk [tilespmem:v9+s3+$0x0], $0xffff;
	[tilespmem:s23+$0xFFFFFFE0] =	vst v2  }
0xf3: {  	v2 =	vld.idx.msk [tilespmem:v6+s3+$0x0], $0xffff;
	[tilespmem:s23+$0xFFFFFFF0] =	vst v0  }
0xf4: {  	v0 =	vld [tilespmem:s25+$0xFFFFFC00]  }
0xf5: {  	v6 =	vld.idx.msk [tilespmem:v7+s3+$0x0], $0xffff  }
0xf6: {  	v7 =	vld [tilespmem:s25+$0x0]  }
0xf7: {  	v4 =	vld.idx.msk [tilespmem:v4+s3+$0x0], $0xffff  }
0xf8: {  	v9 =	vld [tilespmem:s25+$0xFFFFE7E0]  }
0xf9: {  	v1 =	vadd.f32 v2, v1;
	v2 =	vld.idx.msk [tilespmem:v10+s3+$0x0], $0xffff  }
0xfa: {  	v10 =	vld [tilespmem:s25+$0xFFFFE3F0]  }
0xfb: {  	v1 =	vadd.f32 v6, v1;
	v5 =	vld.idx.msk [tilespmem:v5+s3+$0x0], $0xffff  }
0xfc: {  	v6 =	vld [tilespmem:s25+$0xFFFFE7F0]  }
0xfd: {  	v1 =	vadd.f32 v4, v1;
	v0 =	vld.idx.msk [tilespmem:v0+s3+$0x0], $0xffff  }
0xfe: {  	v4 =	vld [tilespmem:s25+$0xFFFFE3D0]  }
0xff: {  	v1 =	vadd.f32 v2, v1;
	v2 =	vld.idx.msk [tilespmem:v7+s3+$0x0], $0xffff  }
0x100: {  	v7 =	vld [tilespmem:s25+$0xFFFFEBD0]  }
0x101: {  	v1 =	vadd.f32 v5, v1;
	v11 =	vld [tilespmem:s25+$0xFFFFEBE0]  }
0x102: {  	v5 =	vld [tilespmem:s25+$0xFFFFEBF0]  }
0x103: {  	v0 =	vadd.f32 v0, v1;
	v12 =	vld [tilespmem:s25+$0xFFFFEFD0]  }
0x104: {  	v1 =	vld [tilespmem:s25+$0xFFFFEFE0]  }
0x105: {  	v0 =	vadd.f32 v2, v0;
	v13 =	vld [tilespmem:s25+$0xFFFFEFF0]  }
0x106: {  	v2 =	vld.idx.msk [tilespmem:v4+s3+$0x0], $0xffff  }
0x107: {  	v0 =	vmul.f32 $1.250000000e-01, v0;
	v4 =	vld.idx.msk [tilespmem:v8+s3+$0x0], $0xffff  }
0x108: {  	s23 =	sadd.s32 $0x40, s23;
	v3 =	vld.idx.msk [tilespmem:v3+s3+$0x0], $0xffff  }
0x109: {  	v8 =	vld.idx.msk [tilespmem:v9+s3+$0x0], $0xffff;
	[tilespmem:s23+$0x0] =	vst v0  }
0x10a: {  	v0 =	vld.idx.msk [tilespmem:v10+s3+$0x0], $0xffff  }
0x10b: {  	v6 =	vld.idx.msk [tilespmem:v6+s3+$0x0], $0xffff  }
0x10c: {  	v9 =	vld [tilespmem:s25+$0xFFFFF3D0]  }
0x10d: {  	v2 =	vadd.f32 v4, v2;
	v4 =	vld [tilespmem:s25+$0xFFFFF3E0]  }
0x10e: {  	v10 =	vld [tilespmem:s25+$0xFFFFF3F0]  }
0x10f: {  	v3 =	vadd.f32 v8, v3;
	v7 =	vld.idx.msk [tilespmem:v7+s3+$0x0], $0xffff  }
0x110: {  	v8 =	vld.idx.msk [tilespmem:v11+s3+$0x0], $0xffff  }
0x111: {  	v0 =	vadd.f32 v6, v0;
	v5 =	vld.idx.msk [tilespmem:v5+s3+$0x0], $0xffff  }
0x112: {  	v6 =	vld [tilespmem:s25+$0xFFFFF7D0]  }
0x113: {  	v11 =	vld [tilespmem:s25+$0xFFFFF7E0]  }
0x114: {  	v14 =	vld [tilespmem:s25+$0xFFFFF7F0]  }
0x115: {  	v2 =	vadd.f32 v7, v2;
	v7 =	vld.idx.msk [tilespmem:v12+s3+$0x0], $0xffff  }
0x116: {  	v3 =	vadd.f32 v8, v3;
	v1 =	vld.idx.msk [tilespmem:v1+s3+$0x0], $0xffff  }
0x117: {  	v0 =	vadd.f32 v5, v0;
	v5 =	vld.idx.msk [tilespmem:v13+s3+$0x0], $0xffff  }
0x118: {  	v8 =	vld [tilespmem:s25+$0xFFFFFBD0]  }
0x119: {  	v12 =	vld [tilespmem:s25+$0xFFFFFBE0]  }
0x11a: {  	v13 =	vld [tilespmem:s25+$0xFFFFFBF0]  }
0x11b: {  	v2 =	vadd.f32 v7, v2;
	v7 =	vld.idx.msk [tilespmem:v9+s3+$0x0], $0xffff  }
0x11c: {  	v1 =	vadd.f32 v1, v3;
	v3 =	vld.idx.msk [tilespmem:v4+s3+$0x0], $0xffff  }
0x11d: {  	v0 =	vadd.f32 v5, v0;
	v4 =	vld.idx.msk [tilespmem:v10+s3+$0x0], $0xffff  }
0x11e: {  	v5 =	vld [tilespmem:s25+$0xFFFFFFD0]  }
0x11f: {  	v9 =	vld [tilespmem:s25+$0xFFFFFFE0]  }
0x120: {  	v10 =	vld [tilespmem:s25+$0xFFFFFFF0]  }
0x121: {  	v7 =	vadd.f32 v7, v2;
	v6 =	vld.idx.msk [tilespmem:v6+s3+$0x0], $0xffff  }
0x122: {  	v15 =	vadd.f32 v3, v1;
	v11 =	vld.idx.msk [tilespmem:v11+s3+$0x0], $0xffff  }
0x123: {  	v16 =	vadd.f32 v4, v0;
	v14 =	vld.idx.msk [tilespmem:v14+s3+$0x0], $0xffff  }
0x124: {  	v1 =	vld.idx.msk [tilespmem:v8+s3+$0x0], $0xffff  }
.Ltmp1:
0x125: {  	v2 =	vld.idx.msk [tilespmem:v12+s3+$0x0], $0xffff;
	(pc) =	sbr.rel @p0 .LBB2_6-.Ltmp1, $4  }
0x126: {  	v0 =	vld.idx.msk [tilespmem:v13+s3+$0x0], $0xffff  }
0x127: {  	v6 =	vadd.f32 v6, v7;
	v3 =	vld.idx.msk [tilespmem:v5+s3+$0x0], $0xffff  }
0x128: {  	v8 =	vadd.f32 v11, v15;
	v4 =	vld.idx.msk [tilespmem:v9+s3+$0x0], $0xffff  }
0x129: {  	s25 =	sadd.s32 $0x40, s25;
	v7 =	vadd.f32 v14, v16;
	v5 =	vld.idx.msk [tilespmem:v10+s3+$0x0], $0xffff  }
0x12a: {  	v1 =	vadd.f32 v1, v6  }
0x12b: {  	v2 =	vadd.f32 v2, v8  }
0x12c: {  	v0 =	vadd.f32 v0, v7;
	v1 =	vadd.f32 v3, v1  }
0x12d: {  	v2 =	vadd.f32 v4, v2  }
0x12e: {  	v1 =	vmul.f32 $1.250000000e-01, v1;
	v0 =	vadd.f32 v5, v0  }
0x12f: {  	v2 =	vmul.f32 $1.250000000e-01, v2  }
0x130: {  	[tilespmem:s23+$0xFFFFFFD0] =	vst v1;
	v0 =	vmul.f32 $1.250000000e-01, v0  }
0x131: {  	[tilespmem:s23+$0xFFFFFFE0] =	vst v2  }
0x132: {  	[tilespmem:s23+$0xFFFFFFF0] =	vst v0  }
0x133: {  	p0 =	seq.s32 s22, $0x4  }
.Ltmp2:
0x134: {  	_ = 	snop;
	(pc) =	sbr.rel @!p0 .LBB2_3-.Ltmp2, $2  }
0x135: {  	_ =	sdelay $0x2  }
0x136: {  	s20 =	sadd.s32 $0x800, s20;
	s21 =	sadd.s32 $0x800, s21  }
0x137: {  	s19 =	sadd.s32 $0x1, s19  }
0x138: {  	p0 =	sne.s32 s19, s9  }
.Ltmp3:
0x139: {  	_ = 	snop;
	(pc) =	sbr.rel @p0 .LBB2_1-.Ltmp3, $4  }
0x13a: {  	[hbm4b:s8+s3] =	stream.linear.scatter [tilespmem:s17], [sflag:$0x4], $0x2000, $0x38;
	[tilespmem:$0x151E8] =	vst v63  }
0x13b: {  	_ =	swait.ge [sflag:s18], $0x2000  }
0x13c: {  	[sflag:s18] =	ssyncset.done $0x0  }
0x13d: {  	[sflag:s18] =	ssyncadd.s32 $0xFFFFE000  }
0x13e: {  	_ =	sfence.sel $0x180000  }
0x13f: {  	[bflag:$0x0] =	sbarrier.arrive $0xFFFF  }
0x140: {  	p0 =	sne.s32 s2, $0x0;
	_ =	strace $0x90000047  }
0x141: {  	s0 =	sadd.s32 @!p0 $0x100000, s0;
	[bflag:$0x2] =	sbarrier.arrive $0xFFFF  }
0x142: {  	[sflag:s0] =	ssyncadd.tile.s32 @!p0 $0x1;
	_ =	shalt  }
.Lfunc_end2:
_tile_overlayer_lowered:
.L_overlay_start_2:
0x143: {  	(tag) =	ssettag $0x2  }
0x144: {  	s0 =	rddreg [dreg:$0x0];
	s2 =	stileid.u32  }
0x145: {  	s1 =	rddreg [dreg:$0x1];
	p0 =	sne.s32 s2, $0x0  }
0x146: {  	s3 =	rddreg [dreg:$0x2];
	[bflag:$0x3] =	sbarrier.arrive $0xFFFF;
	s2 =	simm.s32 @!p0 $0x1C04  }
0x147: {  	[timem:s3], [sflag:s2] =	dma.local @!p0 [hbm:s0], s1  }
0x148: {  	s0 =	simm.s32 @!p0 $0x4  }
0x149: {  	_ =	swait.ge @!p0 [sflag:s0], s1  }
0x14a: {  	s1 =	ssub.s32 @!p0 $0x0, s1;
	[sflag:s0] =	ssyncset.done @!p0 $0x0  }
0x14b: {  	[sflag:s0] =	ssyncadd.s32 @!p0 s1  }
0x14c: {  	[bflag:$0x3] =	sbarrier.arrive $0xFFFF  }
0x14d: {  	_ =	shalt  }

</sc_bundles>
